<compile_context>
chip_gen: v7x
topology: tpu7x:2x2x1
jax: 0.10.2.dev20260603
libtpu: 0.0.44.dev20260713+nightly
codegen_flags: <defaults>
</compile_context>

<pallas_src>
import math

import jax
import jax.numpy as jnp
import numpy as np
from jax import lax
from jax.experimental import pallas as pl
from jax.experimental.pallas import tpu as pltpu
from jax.experimental.pallas import tpu_sc as plsc

VOCAB = 1000000
DIM = 64
SEQ = 200
BATCH = 4096

LANES = 16
PADW = 128
BT = 128


def _make_pe(dim: int, seq: int) -> np.ndarray:
    pe = np.zeros((seq, dim), dtype=np.float32)
    position = np.arange(0, seq, dtype=np.float32)[:, None]
    div_term = np.exp(
        np.arange(0, dim, 2, dtype=np.float32) * -(math.log(10000.0) / dim)
    )
    pe[:, 0::2] = np.sin(position * div_term)
    pe[:, 1::2] = np.cos(position * div_term)
    return pe


_PE = _make_pe(DIM, SEQ)


def kernel(x, embed_weight):
    xi = x.astype(jnp.int32).reshape(BATCH * SEQ)
    w128 = jnp.pad(embed_weight, ((0, 0), (0, PADW - DIM)))
    pe = jnp.asarray(_PE)

    mesh = plsc.VectorSubcoreMesh(core_axis_name="c", subcore_axis_name="s")
    nw = mesh.num_cores * mesh.num_subcores
    assert BATCH % BT == 0 and BATCH // BT == nw
    half = BT // 2 * SEQ

    @pl.kernel(
        out_type=jax.ShapeDtypeStruct((SEQ, DIM // 8, 32, 8, BT),
                                      jnp.float32),
        mesh=mesh,
        compiler_params=pltpu.CompilerParams(
            use_tc_tiling_on_sc=False, needs_layout_passes=False
        ),
        scratch_types=[
            pltpu.VMEM((half,), jnp.int32),
            pltpu.VMEM((SEQ, BT), jnp.int32),
            pltpu.VMEM((SEQ, DIM), jnp.float32),
            pltpu.VMEM((BT, PADW), jnp.float32),
            pltpu.VMEM((BT, PADW), jnp.float32),
            pltpu.VMEM((DIM // 8, 8, BT + 1), jnp.float32),
            pltpu.VMEM((DIM // 8, 8, BT + 1), jnp.float32),
            pltpu.SemaphoreType.DMA,
            pltpu.SemaphoreType.DMA,
            pltpu.SemaphoreType.DMA,
            pltpu.SemaphoreType.DMA,
        ],
    )
    def k(idx_hbm, table_hbm, pe_hbm, out_hbm, idx_h, idx_s, pe_v,
          rows0, rows1, st0, st1, g0, g1, w0, w1):
        rows = (rows0, rows1)
        stages = (st0, st1)
        gsems = (g0, g1)
        wsems = (w0, w1)

        wid = lax.axis_index("s") * mesh.num_cores + lax.axis_index("c")
        tile_idx0 = wid * (BT * SEQ)

        pltpu.sync_copy(pe_hbm, pe_v)

        pat = [(lax.iota(jnp.int32, LANES) + 16 * g) * SEQ for g in range(4)]
        for h in range(2):
            pltpu.sync_copy(
                idx_hbm.at[pl.ds(tile_idx0 + h * half, half)], idx_h
            )

            @pl.loop(0, SEQ)
            def _(s):
                for g in range(4):
                    v = plsc.load_gather(idx_h, [pat[g] + s])
                    idx_s[s, 64 * h + 16 * g:64 * h + 16 * g + 16] = v

        dla = lax.iota(jnp.int32, LANES)
        dt_vec = [(dla + 16 * dc) >> 3 for dc in range(4)]
        di_vec = [(dla + 16 * dc) & 7 for dc in range(4)]

        def fire_gather(s, j):
            pltpu.async_copy(table_hbm.at[idx_s.at[s]], rows[j], gsems[j])

        def drain_gather(j):
            pltpu.make_async_copy(
                table_hbm.at[idx_s.at[0]], rows[j], gsems[j]
            ).wait()

        def fire_write(s, j):
            pltpu.async_copy(
                stages[j].at[:, :, pl.ds(0, BT)],
                out_hbm.at[s, :, wid],
                wsems[j],
            )

        def drain_write(j):
            pltpu.make_async_copy(
                stages[j].at[:, :, pl.ds(0, BT)], out_hbm.at[0, :, 0],
                wsems[j],
            ).wait()

        def compute(s, j):
            rbuf = rows[j]
            sbuf = stages[j]
            pe_regs = [pe_v[s, 16 * dc:16 * dc + 16] for dc in range(4)]

            @plsc.parallel_loop(0, BT, 1, unroll=8)
            def _(b):
                bv = jnp.full((LANES,), b, jnp.int32)
                for dc in range(4):
                    v = rbuf[b, 16 * dc:16 * dc + 16]
                    plsc.store_scatter(
                        sbuf,
                        [dt_vec[dc], di_vec[dc], bv],
                        v * 8.0 + pe_regs[dc],
                    )

        def step(p, s, j):
            drain_gather(j)

            @pl.when(p > 0)
            def _():
                drain_write(j)

            compute(s, j)
            fire_write(s, j)

            @pl.when(p < SEQ // 2 - 1)
            def _():
                fire_gather(s + 2, j)

        fire_gather(0, 0)
        fire_gather(1, 1)

        @pl.loop(0, SEQ // 2)
        def _(p):
            step(p, 2 * p, 0)
            step(p, 2 * p + 1, 1)

        drain_write(0)
        drain_write(1)

    out5 = k(xi, w128, pe)
    out = out5.transpose(2, 4, 0, 1, 3).reshape(BATCH, SEQ, DIM)
    return out

# --- scband reference (transcript-rebuilt; emitter-appended) ---
"""Pipeline reference for scband-embeddings-with-positional-encoding-8160437862641 (READ-ONLY COPY).

The authoritative reference and input builder live on the scoring server;
editing this copy changes nothing except your own understanding.
"""

import math
import jax, jax.numpy as jnp
import numpy as np

VOCAB = 1000000
DIM = 64
MAX_LEN = 50000
BATCH = 4096
SEQ = 200


def create_fixed_positional_encoding(dim, max_len):
    pe = np.zeros((max_len, dim), dtype=np.float32)
    position = np.arange(0, max_len, dtype=np.float32)[:, None]
    div_term = np.exp(np.arange(0, dim, 2, dtype=np.float32) * -(math.log(10000.0) / dim))
    pe[:, 0::2] = np.sin(position * div_term)
    pe[:, 1::2] = np.cos(position * div_term)
    return jnp.asarray(pe[None])  # (1, max_len, dim)


def setup_inputs(seed: int = 0) -> dict:
    key = jax.random.key(seed)
    k_idx, k_w = jax.random.split(key)
    x = jax.random.randint(k_idx, (BATCH, SEQ), 0, VOCAB, dtype=jnp.int64)
    embed_weight = jax.random.normal(k_w, (VOCAB, DIM), dtype=jnp.float32)
    return {"x": x, "embed_weight": embed_weight}


def reference(x, embed_weight):
    # token embedding lookup scaled by sqrt(dim)
    token_embedding = jnp.take(embed_weight, x, axis=0) * math.sqrt(DIM)
    pe = create_fixed_positional_encoding(DIM, MAX_LEN)
    positional_encoding = pe[:, : x.shape[1]]
    # dropout p=0.0 -> identity
    return token_embedding + positional_encoding

if __name__ == "__main__":
    import jax
    _d = setup_inputs()
    print(jax.jit(kernel)(*tuple(_d.values())))

</pallas_src>

<mosaic_0001>
#map = affine_map<(d0, d1) -> (0)>
#map1 = affine_map<(d0, d1) -> (0, 0)>
#map2 = affine_map<(d0, d1) -> (0, 0, 0, 0, 0)>
module attributes {stable_mosaic.version = 14 : i64} {
  func.func @k(%arg0: i32, %arg1: i32, %arg2: memref<819200xi32, #tpu.memory_space<hbm>>, %arg3: memref<1000000x128xf32, #tpu.memory_space<hbm>>, %arg4: memref<200x64xf32, #tpu.memory_space<hbm>>, %arg5: memref<200x8x32x8x128xf32, #tpu.memory_space<hbm>>, %arg6: memref<12800xi32, #tpu.memory_space<vmem>>, %arg7: memref<200x128xi32, #tpu.memory_space<vmem>>, %arg8: memref<200x64xf32, #tpu.memory_space<vmem>>, %arg9: memref<128x128xf32, #tpu.memory_space<vmem>>, %arg10: memref<128x128xf32, #tpu.memory_space<vmem>>, %arg11: memref<8x8x129xf32, #tpu.memory_space<vmem>>, %arg12: memref<8x8x129xf32, #tpu.memory_space<vmem>>, %arg13: memref<!tpu.dma_semaphore, #tpu.memory_space<semaphore_mem>>, %arg14: memref<!tpu.dma_semaphore, #tpu.memory_space<semaphore_mem>>, %arg15: memref<!tpu.dma_semaphore, #tpu.memory_space<semaphore_mem>>, %arg16: memref<!tpu.dma_semaphore, #tpu.memory_space<semaphore_mem>>) attributes {dimension_semantics = [#tpu.dimension_semantics<core_parallel>, #tpu.dimension_semantics<subcore_parallel>], iteration_bounds = array<i64: 2, 16>, scalar_prefetch = 0 : i64, scratch_operands = 11 : i64, tpu.core_type = #tpu.core_type<sc_vector_subcore>, window_params = [{transform_indices = #map}, {transform_indices = #map1}, {transform_indices = #map1}, {transform_indices = #map2}]} {
    %mul3A = arith.constant 2 : i32
    %mul3A_0 = arith.muli %arg1, %mul3A : i32
    %add3A = arith.addi %mul3A_0, %arg0 : i32
    %mul3A_1 = arith.constant 25600 : i32
    %mul3A_2 = arith.muli %add3A, %mul3A_1 : i32
    "tpu.region"() ({
      %run_scoped3A = tpu.sem_alloc : memref<!tpu.dma_semaphore, #tpu.memory_space<semaphore_mem>>
      tpu.enqueue_dma source(%arg4 : memref<200x64xf32, #tpu.memory_space<hbm>>) target(%arg8 : memref<200x64xf32, #tpu.memory_space<vmem>>) target_semaphore(%run_scoped3A : memref<!tpu.dma_semaphore, #tpu.memory_space<semaphore_mem>>)
      tpu.wait_dma2 semaphore(%run_scoped3A : memref<!tpu.dma_semaphore, #tpu.memory_space<semaphore_mem>>) src(%arg4 : memref<200x64xf32, #tpu.memory_space<hbm>>) dst(%arg8 : memref<200x64xf32, #tpu.memory_space<vmem>>)
      tpu.yield
    }) : () -> ()
    %iota3A = tpu.iota {dimensions = array<i32: 0>} : vector<16xi32>
    %add3A_3 = arith.constant 0 : i32
    %add3A_4 = vector.broadcast %add3A_3 : i32 to vector<16xi32>
    %add3A_5 = arith.addi %iota3A, %add3A_4 : vector<16xi32>
    %mul3A_6 = arith.constant 200 : i32
    %mul3A_7 = vector.broadcast %mul3A_6 : i32 to vector<16xi32>
    %mul3A_8 = arith.muli %add3A_5, %mul3A_7 : vector<16xi32>
    %iota3A_9 = tpu.iota {dimensions = array<i32: 0>} : vector<16xi32>
    %add3A_10 = arith.constant 16 : i32
    %add3A_11 = vector.broadcast %add3A_10 : i32 to vector<16xi32>
    %add3A_12 = arith.addi %iota3A_9, %add3A_11 : vector<16xi32>
    %mul3A_13 = arith.constant 200 : i32
    %mul3A_14 = vector.broadcast %mul3A_13 : i32 to vector<16xi32>
    %mul3A_15 = arith.muli %add3A_12, %mul3A_14 : vector<16xi32>
    %iota3A_16 = tpu.iota {dimensions = array<i32: 0>} : vector<16xi32>
    %add3A_17 = arith.constant 32 : i32
    %add3A_18 = vector.broadcast %add3A_17 : i32 to vector<16xi32>
    %add3A_19 = arith.addi %iota3A_16, %add3A_18 : vector<16xi32>
    %mul3A_20 = arith.constant 200 : i32
    %mul3A_21 = vector.broadcast %mul3A_20 : i32 to vector<16xi32>
    %mul3A_22 = arith.muli %add3A_19, %mul3A_21 : vector<16xi32>
    %iota3A_23 = tpu.iota {dimensions = array<i32: 0>} : vector<16xi32>
    %add3A_24 = arith.constant 48 : i32
    %add3A_25 = vector.broadcast %add3A_24 : i32 to vector<16xi32>
    %add3A_26 = arith.addi %iota3A_23, %add3A_25 : vector<16xi32>
    %mul3A_27 = arith.constant 200 : i32
    %mul3A_28 = vector.broadcast %mul3A_27 : i32 to vector<16xi32>
    %mul3A_29 = arith.muli %add3A_26, %mul3A_28 : vector<16xi32>
    %add3A_30 = arith.constant 0 : i32
    %add3A_31 = arith.addi %mul3A_2, %add3A_30 : i32
    "tpu.region"() ({
      %run_scoped3A = tpu.sem_alloc : memref<!tpu.dma_semaphore, #tpu.memory_space<semaphore_mem>>
      %dma_start3A_147 = tpu.memref_slice %arg2[%add3A_31] : memref<819200xi32, #tpu.memory_space<hbm>> -> memref<12800xi32, #tpu.memory_space<hbm>>
      %dma_start3A_148 = tpu.memref_slice %arg2[%add3A_31] : memref<819200xi32, #tpu.memory_space<hbm>> -> memref<12800xi32, #tpu.memory_space<hbm>>
      tpu.enqueue_dma source(%dma_start3A_148 : memref<12800xi32, #tpu.memory_space<hbm>>) target(%arg6 : memref<12800xi32, #tpu.memory_space<vmem>>) target_semaphore(%run_scoped3A : memref<!tpu.dma_semaphore, #tpu.memory_space<semaphore_mem>>)
      %dma_wait3A_149 = tpu.memref_slice %arg2[%add3A_31] : memref<819200xi32, #tpu.memory_space<hbm>> -> memref<12800xi32, #tpu.memory_space<hbm>>
      %dma_wait3A_150 = tpu.memref_slice %arg2[%add3A_31] : memref<819200xi32, #tpu.memory_space<hbm>> -> memref<12800xi32, #tpu.memory_space<hbm>>
      tpu.wait_dma2 semaphore(%run_scoped3A : memref<!tpu.dma_semaphore, #tpu.memory_space<semaphore_mem>>) src(%dma_wait3A_150 : memref<12800xi32, #tpu.memory_space<hbm>>) dst(%arg6 : memref<12800xi32, #tpu.memory_space<vmem>>)
      tpu.yield
    }) : () -> ()
    %scan3A = arith.constant 0 : i32
    %scan3A_32 = arith.constant 200 : i32
    %scan3A_33 = arith.addi %scan3A, %scan3A_32 : i32
    %scan3A_34 = arith.constant 1 : i32
    scf.for %scan3A_147 = %scan3A to %scan3A_33 step %scan3A_34  : i32 {
      %mul3A_148 = arith.constant 1 : i32
      %mul3A_149 = arith.muli %scan3A_147, %mul3A_148 : i32
      %add3A_150 = arith.constant 0 : i32
      %add3A_151 = arith.addi %add3A_150, %mul3A_149 : i32
      %add3A_152 = vector.broadcast %add3A_151 : i32 to vector<16xi32>
      %add3A_153 = arith.addi %mul3A_8, %add3A_152 : vector<16xi32>
      %gather3A = tpu.vector_load_idx %arg6[%add3A_153] : memref<12800xi32, #tpu.memory_space<vmem>>[vector<16xi32>], vector<16xi32>,
      %swap3A = arith.index_cast %add3A_151 : i32 to index
      %swap3A_154 = arith.constant 0 : index
      %swap3A_155 = tpu.vector_load %arg7[%swap3A, %swap3A_154] {strides = array<i32>} : memref<200x128xi32, #tpu.memory_space<vmem>>, vector<16xi32>,
      tpu.vector_store %arg7[%swap3A, %swap3A_154], %gather3A {strides = array<i32>} : memref<200x128xi32, #tpu.memory_space<vmem>>, vector<16xi32>,
      %add3A_156 = vector.broadcast %add3A_151 : i32 to vector<16xi32>
      %add3A_157 = arith.addi %mul3A_15, %add3A_156 : vector<16xi32>
      %gather3A_158 = tpu.vector_load_idx %arg6[%add3A_157] : memref<12800xi32, #tpu.memory_space<vmem>>[vector<16xi32>], vector<16xi32>,
      %swap3A_159 = arith.index_cast %add3A_151 : i32 to index
      %swap3A_160 = arith.constant 16 : index
      %swap3A_161 = tpu.vector_load %arg7[%swap3A_159, %swap3A_160] {strides = array<i32>} : memref<200x128xi32, #tpu.memory_space<vmem>>, vector<16xi32>,
      tpu.vector_store %arg7[%swap3A_159, %swap3A_160], %gather3A_158 {strides = array<i32>} : memref<200x128xi32, #tpu.memory_space<vmem>>, vector<16xi32>,
      %add3A_162 = vector.broadcast %add3A_151 : i32 to vector<16xi32>
      %add3A_163 = arith.addi %mul3A_22, %add3A_162 : vector<16xi32>
      %gather3A_164 = tpu.vector_load_idx %arg6[%add3A_163] : memref<12800xi32, #tpu.memory_space<vmem>>[vector<16xi32>], vector<16xi32>,
      %swap3A_165 = arith.index_cast %add3A_151 : i32 to index
      %swap3A_166 = arith.constant 32 : index
      %swap3A_167 = tpu.vector_load %arg7[%swap3A_165, %swap3A_166] {strides = array<i32>} : memref<200x128xi32, #tpu.memory_space<vmem>>, vector<16xi32>,
      tpu.vector_store %arg7[%swap3A_165, %swap3A_166], %gather3A_164 {strides = array<i32>} : memref<200x128xi32, #tpu.memory_space<vmem>>, vector<16xi32>,
      %add3A_168 = vector.broadcast %add3A_151 : i32 to vector<16xi32>
      %add3A_169 = arith.addi %mul3A_29, %add3A_168 : vector<16xi32>
      %gather3A_170 = tpu.vector_load_idx %arg6[%add3A_169] : memref<12800xi32, #tpu.memory_space<vmem>>[vector<16xi32>], vector<16xi32>,
      %swap3A_171 = arith.index_cast %add3A_151 : i32 to index
      %swap3A_172 = arith.constant 48 : index
      %swap3A_173 = tpu.vector_load %arg7[%swap3A_171, %swap3A_172] {strides = array<i32>} : memref<200x128xi32, #tpu.memory_space<vmem>>, vector<16xi32>,
      tpu.vector_store %arg7[%swap3A_171, %swap3A_172], %gather3A_170 {strides = array<i32>} : memref<200x128xi32, #tpu.memory_space<vmem>>, vector<16xi32>,
    }
    %scan3A_35 = arith.constant 200 : i32
    %add3A_36 = arith.constant 12800 : i32
    %add3A_37 = arith.addi %mul3A_2, %add3A_36 : i32
    "tpu.region"() ({
      %run_scoped3A = tpu.sem_alloc : memref<!tpu.dma_semaphore, #tpu.memory_space<semaphore_mem>>
      %dma_start3A_147 = tpu.memref_slice %arg2[%add3A_37] : memref<819200xi32, #tpu.memory_space<hbm>> -> memref<12800xi32, #tpu.memory_space<hbm>>
      %dma_start3A_148 = tpu.memref_slice %arg2[%add3A_37] : memref<819200xi32, #tpu.memory_space<hbm>> -> memref<12800xi32, #tpu.memory_space<hbm>>
      tpu.enqueue_dma source(%dma_start3A_148 : memref<12800xi32, #tpu.memory_space<hbm>>) target(%arg6 : memref<12800xi32, #tpu.memory_space<vmem>>) target_semaphore(%run_scoped3A : memref<!tpu.dma_semaphore, #tpu.memory_space<semaphore_mem>>)
      %dma_wait3A_149 = tpu.memref_slice %arg2[%add3A_37] : memref<819200xi32, #tpu.memory_space<hbm>> -> memref<12800xi32, #tpu.memory_space<hbm>>
      %dma_wait3A_150 = tpu.memref_slice %arg2[%add3A_37] : memref<819200xi32, #tpu.memory_space<hbm>> -> memref<12800xi32, #tpu.memory_space<hbm>>
      tpu.wait_dma2 semaphore(%run_scoped3A : memref<!tpu.dma_semaphore, #tpu.memory_space<semaphore_mem>>) src(%dma_wait3A_150 : memref<12800xi32, #tpu.memory_space<hbm>>) dst(%arg6 : memref<12800xi32, #tpu.memory_space<vmem>>)
      tpu.yield
    }) : () -> ()
    %scan3A_38 = arith.constant 0 : i32
    %scan3A_39 = arith.constant 200 : i32
    %scan3A_40 = arith.addi %scan3A_38, %scan3A_39 : i32
    %scan3A_41 = arith.constant 1 : i32
    scf.for %scan3A_147 = %scan3A_38 to %scan3A_40 step %scan3A_41  : i32 {
      %mul3A_148 = arith.constant 1 : i32
      %mul3A_149 = arith.muli %scan3A_147, %mul3A_148 : i32
      %add3A_150 = arith.constant 0 : i32
      %add3A_151 = arith.addi %add3A_150, %mul3A_149 : i32
      %add3A_152 = vector.broadcast %add3A_151 : i32 to vector<16xi32>
      %add3A_153 = arith.addi %mul3A_8, %add3A_152 : vector<16xi32>
      %gather3A = tpu.vector_load_idx %arg6[%add3A_153] : memref<12800xi32, #tpu.memory_space<vmem>>[vector<16xi32>], vector<16xi32>,
      %swap3A = arith.index_cast %add3A_151 : i32 to index
      %swap3A_154 = arith.constant 64 : index
      %swap3A_155 = tpu.vector_load %arg7[%swap3A, %swap3A_154] {strides = array<i32>} : memref<200x128xi32, #tpu.memory_space<vmem>>, vector<16xi32>,
      tpu.vector_store %arg7[%swap3A, %swap3A_154], %gather3A {strides = array<i32>} : memref<200x128xi32, #tpu.memory_space<vmem>>, vector<16xi32>,
      %add3A_156 = vector.broadcast %add3A_151 : i32 to vector<16xi32>
      %add3A_157 = arith.addi %mul3A_15, %add3A_156 : vector<16xi32>
      %gather3A_158 = tpu.vector_load_idx %arg6[%add3A_157] : memref<12800xi32, #tpu.memory_space<vmem>>[vector<16xi32>], vector<16xi32>,
      %swap3A_159 = arith.index_cast %add3A_151 : i32 to index
      %swap3A_160 = arith.constant 80 : index
      %swap3A_161 = tpu.vector_load %arg7[%swap3A_159, %swap3A_160] {strides = array<i32>} : memref<200x128xi32, #tpu.memory_space<vmem>>, vector<16xi32>,
      tpu.vector_store %arg7[%swap3A_159, %swap3A_160], %gather3A_158 {strides = array<i32>} : memref<200x128xi32, #tpu.memory_space<vmem>>, vector<16xi32>,
      %add3A_162 = vector.broadcast %add3A_151 : i32 to vector<16xi32>
      %add3A_163 = arith.addi %mul3A_22, %add3A_162 : vector<16xi32>
      %gather3A_164 = tpu.vector_load_idx %arg6[%add3A_163] : memref<12800xi32, #tpu.memory_space<vmem>>[vector<16xi32>], vector<16xi32>,
      %swap3A_165 = arith.index_cast %add3A_151 : i32 to index
      %swap3A_166 = arith.constant 96 : index
      %swap3A_167 = tpu.vector_load %arg7[%swap3A_165, %swap3A_166] {strides = array<i32>} : memref<200x128xi32, #tpu.memory_space<vmem>>, vector<16xi32>,
      tpu.vector_store %arg7[%swap3A_165, %swap3A_166], %gather3A_164 {strides = array<i32>} : memref<200x128xi32, #tpu.memory_space<vmem>>, vector<16xi32>,
      %add3A_168 = vector.broadcast %add3A_151 : i32 to vector<16xi32>
      %add3A_169 = arith.addi %mul3A_29, %add3A_168 : vector<16xi32>
      %gather3A_170 = tpu.vector_load_idx %arg6[%add3A_169] : memref<12800xi32, #tpu.memory_space<vmem>>[vector<16xi32>], vector<16xi32>,
      %swap3A_171 = arith.index_cast %add3A_151 : i32 to index
      %swap3A_172 = arith.constant 112 : index
      %swap3A_173 = tpu.vector_load %arg7[%swap3A_171, %swap3A_172] {strides = array<i32>} : memref<200x128xi32, #tpu.memory_space<vmem>>, vector<16xi32>,
      tpu.vector_store %arg7[%swap3A_171, %swap3A_172], %gather3A_170 {strides = array<i32>} : memref<200x128xi32, #tpu.memory_space<vmem>>, vector<16xi32>,
    }
    %scan3A_42 = arith.constant 200 : i32
    %iota3A_43 = tpu.iota {dimensions = array<i32: 0>} : vector<16xi32>
    %add3A_44 = arith.constant 0 : i32
    %add3A_45 = vector.broadcast %add3A_44 : i32 to vector<16xi32>
    %add3A_46 = arith.addi %iota3A_43, %add3A_45 : vector<16xi32>
    %shift_right_arithmetic3A = arith.constant 3 : i32
    %shift_right_arithmetic3A_47 = vector.broadcast %shift_right_arithmetic3A : i32 to vector<16xi32>
    %shift_right_arithmetic3A_48 = arith.shrsi %add3A_46, %shift_right_arithmetic3A_47 : vector<16xi32>
    %add3A_49 = arith.constant 16 : i32
    %add3A_50 = vector.broadcast %add3A_49 : i32 to vector<16xi32>
    %add3A_51 = arith.addi %iota3A_43, %add3A_50 : vector<16xi32>
    %shift_right_arithmetic3A_52 = arith.constant 3 : i32
    %shift_right_arithmetic3A_53 = vector.broadcast %shift_right_arithmetic3A_52 : i32 to vector<16xi32>
    %shift_right_arithmetic3A_54 = arith.shrsi %add3A_51, %shift_right_arithmetic3A_53 : vector<16xi32>
    %add3A_55 = arith.constant 32 : i32
    %add3A_56 = vector.broadcast %add3A_55 : i32 to vector<16xi32>
    %add3A_57 = arith.addi %iota3A_43, %add3A_56 : vector<16xi32>
    %shift_right_arithmetic3A_58 = arith.constant 3 : i32
    %shift_right_arithmetic3A_59 = vector.broadcast %shift_right_arithmetic3A_58 : i32 to vector<16xi32>
    %shift_right_arithmetic3A_60 = arith.shrsi %add3A_57, %shift_right_arithmetic3A_59 : vector<16xi32>
    %add3A_61 = arith.constant 48 : i32
    %add3A_62 = vector.broadcast %add3A_61 : i32 to vector<16xi32>
    %add3A_63 = arith.addi %iota3A_43, %add3A_62 : vector<16xi32>
    %shift_right_arithmetic3A_64 = arith.constant 3 : i32
    %shift_right_arithmetic3A_65 = vector.broadcast %shift_right_arithmetic3A_64 : i32 to vector<16xi32>
    %shift_right_arithmetic3A_66 = arith.shrsi %add3A_63, %shift_right_arithmetic3A_65 : vector<16xi32>
    %add3A_67 = arith.constant 0 : i32
    %add3A_68 = vector.broadcast %add3A_67 : i32 to vector<16xi32>
    %add3A_69 = arith.addi %iota3A_43, %add3A_68 : vector<16xi32>
    %and3A = arith.constant 7 : i32
    %and3A_70 = vector.broadcast %and3A : i32 to vector<16xi32>
    %and3A_71 = arith.andi %add3A_69, %and3A_70 : vector<16xi32>
    %add3A_72 = arith.constant 16 : i32
    %add3A_73 = vector.broadcast %add3A_72 : i32 to vector<16xi32>
    %add3A_74 = arith.addi %iota3A_43, %add3A_73 : vector<16xi32>
    %and3A_75 = arith.constant 7 : i32
    %and3A_76 = vector.broadcast %and3A_75 : i32 to vector<16xi32>
    %and3A_77 = arith.andi %add3A_74, %and3A_76 : vector<16xi32>
    %add3A_78 = arith.constant 32 : i32
    %add3A_79 = vector.broadcast %add3A_78 : i32 to vector<16xi32>
    %add3A_80 = arith.addi %iota3A_43, %add3A_79 : vector<16xi32>
    %and3A_81 = arith.constant 7 : i32
    %and3A_82 = vector.broadcast %and3A_81 : i32 to vector<16xi32>
    %and3A_83 = arith.andi %add3A_80, %and3A_82 : vector<16xi32>
    %add3A_84 = arith.constant 48 : i32
    %add3A_85 = vector.broadcast %add3A_84 : i32 to vector<16xi32>
    %add3A_86 = arith.addi %iota3A_43, %add3A_85 : vector<16xi32>
    %and3A_87 = arith.constant 7 : i32
    %and3A_88 = vector.broadcast %and3A_87 : i32 to vector<16xi32>
    %and3A_89 = arith.andi %add3A_86, %and3A_88 : vector<16xi32>
    %dma_start3A = arith.constant 0 : i32
    %dma_start3A_90 = arith.constant 0 : i32
    %dma_start3A_91 = tpu.memref_slice %arg7[%dma_start3A, %dma_start3A_90] : memref<200x128xi32, #tpu.memory_space<vmem>> -> memref<1x128xi32, #tpu.memory_space<vmem>>
    %dma_start3A_92 = tpu.memref_squeeze %dma_start3A_91 : memref<1x128xi32, #tpu.memory_space<vmem>> -> memref<128xi32, #tpu.memory_space<vmem>>
    %dma_start3A_93 = arith.constant 0 : i32
    %dma_start3A_94 = arith.constant 0 : i32
    %dma_start3A_95 = tpu.memref_slice %arg3[%dma_start3A_93, %dma_start3A_94] : memref<1000000x128xf32, #tpu.memory_space<hbm>> -> memref<1000000x128xf32, #tpu.memory_space<hbm>>
    tpu.enqueue_indirect_dma source(%dma_start3A_95 : memref<1000000x128xf32, #tpu.memory_space<hbm>>) target(%arg9 : memref<128x128xf32, #tpu.memory_space<vmem>>) offsets(%dma_start3A_92 : memref<128xi32, #tpu.memory_space<vmem>>) semaphore(%arg13 : memref<!tpu.dma_semaphore, #tpu.memory_space<semaphore_mem>>)
    %dma_start3A_96 = arith.constant 1 : i32
    %dma_start3A_97 = arith.constant 0 : i32
    %dma_start3A_98 = tpu.memref_slice %arg7[%dma_start3A_96, %dma_start3A_97] : memref<200x128xi32, #tpu.memory_space<vmem>> -> memref<1x128xi32, #tpu.memory_space<vmem>>
    %dma_start3A_99 = tpu.memref_squeeze %dma_start3A_98 : memref<1x128xi32, #tpu.memory_space<vmem>> -> memref<128xi32, #tpu.memory_space<vmem>>
    %dma_start3A_100 = arith.constant 0 : i32
    %dma_start3A_101 = arith.constant 0 : i32
    %dma_start3A_102 = tpu.memref_slice %arg3[%dma_start3A_100, %dma_start3A_101] : memref<1000000x128xf32, #tpu.memory_space<hbm>> -> memref<1000000x128xf32, #tpu.memory_space<hbm>>
    tpu.enqueue_indirect_dma source(%dma_start3A_102 : memref<1000000x128xf32, #tpu.memory_space<hbm>>) target(%arg10 : memref<128x128xf32, #tpu.memory_space<vmem>>) offsets(%dma_start3A_99 : memref<128xi32, #tpu.memory_space<vmem>>) semaphore(%arg14 : memref<!tpu.dma_semaphore, #tpu.memory_space<semaphore_mem>>)
    %scan3A_103 = arith.constant 0 : i32
    %scan3A_104 = arith.constant 100 : i32
    %scan3A_105 = arith.addi %scan3A_103, %scan3A_104 : i32
    %scan3A_106 = arith.constant 1 : i32
    scf.for %scan3A_147 = %scan3A_103 to %scan3A_105 step %scan3A_106  : i32 {
      %mul3A_148 = arith.constant 1 : i32
      %mul3A_149 = arith.muli %scan3A_147, %mul3A_148 : i32
      %add3A_150 = arith.constant 0 : i32
      %add3A_151 = arith.addi %add3A_150, %mul3A_149 : i32
      %mul3A_152 = arith.constant 2 : i32
      %mul3A_153 = arith.muli %mul3A_152, %add3A_151 : i32
      %dma_wait3A_154 = arith.constant 0 : i32
      %dma_wait3A_155 = arith.constant 0 : i32
      %dma_wait3A_156 = tpu.memref_slice %arg7[%dma_wait3A_154, %dma_wait3A_155] : memref<200x128xi32, #tpu.memory_space<vmem>> -> memref<1x128xi32, #tpu.memory_space<vmem>>
      %dma_wait3A_157 = tpu.memref_squeeze %dma_wait3A_156 : memref<1x128xi32, #tpu.memory_space<vmem>> -> memref<128xi32, #tpu.memory_space<vmem>>
      %dma_wait3A_158 = arith.constant 0 : i32
      %dma_wait3A_159 = arith.constant 0 : i32
      %dma_wait3A_160 = tpu.memref_slice %arg3[%dma_wait3A_158, %dma_wait3A_159] : memref<1000000x128xf32, #tpu.memory_space<hbm>> -> memref<1000000x128xf32, #tpu.memory_space<hbm>>
      tpu.wait_indirect_dma semaphore(%arg13 : memref<!tpu.dma_semaphore, #tpu.memory_space<semaphore_mem>>) src(%dma_wait3A_160 : memref<1000000x128xf32, #tpu.memory_space<hbm>>) dst(%arg9 : memref<128x128xf32, #tpu.memory_space<vmem>>)
      %gt3A = arith.constant 0 : i32
      %gt3A_161 = arith.cmpi sgt, %add3A_151, %gt3A : i32
      %convert_element_type3A = arith.extui %gt3A_161 : i1 to i32
      %cond3A = arith.constant 0 : i32
      %cond3A_162 = arith.cmpi ne, %convert_element_type3A, %cond3A : i32
      scf.if %cond3A_162 {
        %dma_wait3A_252 = arith.constant 0 : i32
        %dma_wait3A_253 = arith.constant 0 : i32
        %dma_wait3A_254 = arith.constant 0 : i32
        %dma_wait3A_255 = arith.constant 0 : i32
        %dma_wait3A_256 = arith.constant 0 : i32
        %dma_wait3A_257 = tpu.memref_slice %arg11[%dma_wait3A_254, %dma_wait3A_255, %dma_wait3A_256] : memref<8x8x129xf32, #tpu.memory_space<vmem>> -> memref<8x8x128xf32, #tpu.memory_space<vmem>>
        %dma_wait3A_258 = arith.constant 0 : i32
        %dma_wait3A_259 = arith.constant 0 : i32
        %dma_wait3A_260 = arith.constant 0 : i32
        %dma_wait3A_261 = tpu.memref_slice %arg5[%dma_wait3A_252, %dma_wait3A_258, %dma_wait3A_253, %dma_wait3A_259, %dma_wait3A_260] : memref<200x8x32x8x128xf32, #tpu.memory_space<hbm>> -> memref<1x8x1x8x128xf32, #tpu.memory_space<hbm>>
        %dma_wait3A_262 = tpu.memref_squeeze %dma_wait3A_261 : memref<1x8x1x8x128xf32, #tpu.memory_space<hbm>> -> memref<8x8x128xf32, #tpu.memory_space<hbm>>
        %dma_wait3A_263 = arith.constant 0 : i32
        %dma_wait3A_264 = arith.constant 0 : i32
        %dma_wait3A_265 = arith.constant 0 : i32
        %dma_wait3A_266 = tpu.memref_slice %arg5[%dma_wait3A_252, %dma_wait3A_263, %dma_wait3A_253, %dma_wait3A_264, %dma_wait3A_265] : memref<200x8x32x8x128xf32, #tpu.memory_space<hbm>> -> memref<1x8x1x8x128xf32, #tpu.memory_space<hbm>>
        %dma_wait3A_267 = tpu.memref_squeeze %dma_wait3A_266 : memref<1x8x1x8x128xf32, #tpu.memory_space<hbm>> -> memref<8x8x128xf32, #tpu.memory_space<hbm>>
        %dma_wait3A_268 = arith.constant 0 : i32
        %dma_wait3A_269 = arith.constant 0 : i32
        %dma_wait3A_270 = arith.constant 0 : i32
        %dma_wait3A_271 = tpu.memref_slice %arg11[%dma_wait3A_268, %dma_wait3A_269, %dma_wait3A_270] : memref<8x8x129xf32, #tpu.memory_space<vmem>> -> memref<8x8x128xf32, #tpu.memory_space<vmem>>
        tpu.wait_dma2 semaphore(%arg15 : memref<!tpu.dma_semaphore, #tpu.memory_space<semaphore_mem>>) src(%dma_wait3A_271 : memref<8x8x128xf32, #tpu.memory_space<vmem>>) dst(%dma_wait3A_267 : memref<8x8x128xf32, #tpu.memory_space<hbm>>)
      } else {
      }
      %get3A = arith.index_cast %mul3A_153 : i32 to index
      %get3A_163 = arith.constant 0 : index
      %get3A_164 = tpu.vector_load %arg8[%get3A, %get3A_163] {strides = array<i32>} : memref<200x64xf32, #tpu.memory_space<vmem>>, vector<16xf32>,
      %get3A_165 = arith.index_cast %mul3A_153 : i32 to index
      %get3A_166 = arith.constant 16 : index
      %get3A_167 = tpu.vector_load %arg8[%get3A_165, %get3A_166] {strides = array<i32>} : memref<200x64xf32, #tpu.memory_space<vmem>>, vector<16xf32>,
      %get3A_168 = arith.index_cast %mul3A_153 : i32 to index
      %get3A_169 = arith.constant 32 : index
      %get3A_170 = tpu.vector_load %arg8[%get3A_168, %get3A_169] {strides = array<i32>} : memref<200x64xf32, #tpu.memory_space<vmem>>, vector<16xf32>,
      %get3A_171 = arith.index_cast %mul3A_153 : i32 to index
      %get3A_172 = arith.constant 48 : index
      %get3A_173 = tpu.vector_load %arg8[%get3A_171, %get3A_172] {strides = array<i32>} : memref<200x64xf32, #tpu.memory_space<vmem>>, vector<16xf32>,
      %parallel_loop3A = arith.constant 0 : i32
      %parallel_loop3A_174 = arith.constant 128 : i32
      %parallel_loop3A_175 = arith.constant 1 : i32
      scf.for %parallel_loop3A_252 = %parallel_loop3A to %parallel_loop3A_174 step %parallel_loop3A_175  : i32 {
        %parallel_loop3A_253 = vector.broadcast %parallel_loop3A_252 : i32 to vector<16xi32>
        %parallel_loop3A_254 = arith.index_cast %parallel_loop3A_252 : i32 to index
        %parallel_loop3A_255 = arith.constant 0 : index
        %parallel_loop3A_256 = tpu.vector_load %arg9[%parallel_loop3A_254, %parallel_loop3A_255] {strides = array<i32>} : memref<128x128xf32, #tpu.memory_space<vmem>>, vector<16xf32>,
        %parallel_loop3A_257 = arith.constant 8.000000e+00 : f32
        %parallel_loop3A_258 = vector.broadcast %parallel_loop3A_257 : f32 to vector<16xf32>
        %parallel_loop3A_259 = arith.mulf %parallel_loop3A_256, %parallel_loop3A_258 : vector<16xf32>
        %parallel_loop3A_260 = arith.addf %parallel_loop3A_259, %get3A_164 : vector<16xf32>
        tpu.vector_store_idx %arg11[%shift_right_arithmetic3A_48, %and3A_71, %parallel_loop3A_253], %parallel_loop3A_260 : memref<8x8x129xf32, #tpu.memory_space<vmem>>[vector<16xi32>, vector<16xi32>, vector<16xi32>], vector<16xf32>,
        %parallel_loop3A_261 = arith.index_cast %parallel_loop3A_252 : i32 to index
        %parallel_loop3A_262 = arith.constant 16 : index
        %parallel_loop3A_263 = tpu.vector_load %arg9[%parallel_loop3A_261, %parallel_loop3A_262] {strides = array<i32>} : memref<128x128xf32, #tpu.memory_space<vmem>>, vector<16xf32>,
        %parallel_loop3A_264 = arith.constant 8.000000e+00 : f32
        %parallel_loop3A_265 = vector.broadcast %parallel_loop3A_264 : f32 to vector<16xf32>
        %parallel_loop3A_266 = arith.mulf %parallel_loop3A_263, %parallel_loop3A_265 : vector<16xf32>
        %parallel_loop3A_267 = arith.addf %parallel_loop3A_266, %get3A_167 : vector<16xf32>
        tpu.vector_store_idx %arg11[%shift_right_arithmetic3A_54, %and3A_77, %parallel_loop3A_253], %parallel_loop3A_267 : memref<8x8x129xf32, #tpu.memory_space<vmem>>[vector<16xi32>, vector<16xi32>, vector<16xi32>], vector<16xf32>,
        %parallel_loop3A_268 = arith.index_cast %parallel_loop3A_252 : i32 to index
        %parallel_loop3A_269 = arith.constant 32 : index
        %parallel_loop3A_270 = tpu.vector_load %arg9[%parallel_loop3A_268, %parallel_loop3A_269] {strides = array<i32>} : memref<128x128xf32, #tpu.memory_space<vmem>>, vector<16xf32>,
        %parallel_loop3A_271 = arith.constant 8.000000e+00 : f32
        %parallel_loop3A_272 = vector.broadcast %parallel_loop3A_271 : f32 to vector<16xf32>
        %parallel_loop3A_273 = arith.mulf %parallel_loop3A_270, %parallel_loop3A_272 : vector<16xf32>
        %parallel_loop3A_274 = arith.addf %parallel_loop3A_273, %get3A_170 : vector<16xf32>
        tpu.vector_store_idx %arg11[%shift_right_arithmetic3A_60, %and3A_83, %parallel_loop3A_253], %parallel_loop3A_274 : memref<8x8x129xf32, #tpu.memory_space<vmem>>[vector<16xi32>, vector<16xi32>, vector<16xi32>], vector<16xf32>,
        %parallel_loop3A_275 = arith.index_cast %parallel_loop3A_252 : i32 to index
        %parallel_loop3A_276 = arith.constant 48 : index
        %parallel_loop3A_277 = tpu.vector_load %arg9[%parallel_loop3A_275, %parallel_loop3A_276] {strides = array<i32>} : memref<128x128xf32, #tpu.memory_space<vmem>>, vector<16xf32>,
        %parallel_loop3A_278 = arith.constant 8.000000e+00 : f32
        %parallel_loop3A_279 = vector.broadcast %parallel_loop3A_278 : f32 to vector<16xf32>
        %parallel_loop3A_280 = arith.mulf %parallel_loop3A_277, %parallel_loop3A_279 : vector<16xf32>
        %parallel_loop3A_281 = arith.addf %parallel_loop3A_280, %get3A_173 : vector<16xf32>
        tpu.vector_store_idx %arg11[%shift_right_arithmetic3A_66, %and3A_89, %parallel_loop3A_253], %parallel_loop3A_281 : memref<8x8x129xf32, #tpu.memory_space<vmem>>[vector<16xi32>, vector<16xi32>, vector<16xi32>], vector<16xf32>,
      } {sc.loop_unroll_factor = 8 : i64, sc.parallel_access}
      %dma_start3A_176 = arith.constant 0 : i32
      %dma_start3A_177 = arith.constant 0 : i32
      %dma_start3A_178 = arith.constant 0 : i32
      %dma_start3A_179 = tpu.memref_slice %arg11[%dma_start3A_176, %dma_start3A_177, %dma_start3A_178] : memref<8x8x129xf32, #tpu.memory_space<vmem>> -> memref<8x8x128xf32, #tpu.memory_space<vmem>>
      %dma_start3A_180 = arith.constant 0 : i32
      %dma_start3A_181 = arith.constant 0 : i32
      %dma_start3A_182 = arith.constant 0 : i32
      %dma_start3A_183 = tpu.memref_slice %arg5[%mul3A_153, %dma_start3A_180, %add3A, %dma_start3A_181, %dma_start3A_182] : memref<200x8x32x8x128xf32, #tpu.memory_space<hbm>> -> memref<1x8x1x8x128xf32, #tpu.memory_space<hbm>>
      %dma_start3A_184 = tpu.memref_squeeze %dma_start3A_183 : memref<1x8x1x8x128xf32, #tpu.memory_space<hbm>> -> memref<8x8x128xf32, #tpu.memory_space<hbm>>
      %dma_start3A_185 = arith.constant 0 : i32
      %dma_start3A_186 = arith.constant 0 : i32
      %dma_start3A_187 = arith.constant 0 : i32
      %dma_start3A_188 = tpu.memref_slice %arg5[%mul3A_153, %dma_start3A_185, %add3A, %dma_start3A_186, %dma_start3A_187] : memref<200x8x32x8x128xf32, #tpu.memory_space<hbm>> -> memref<1x8x1x8x128xf32, #tpu.memory_space<hbm>>
      %dma_start3A_189 = tpu.memref_squeeze %dma_start3A_188 : memref<1x8x1x8x128xf32, #tpu.memory_space<hbm>> -> memref<8x8x128xf32, #tpu.memory_space<hbm>>
      %dma_start3A_190 = arith.constant 0 : i32
      %dma_start3A_191 = arith.constant 0 : i32
      %dma_start3A_192 = arith.constant 0 : i32
      %dma_start3A_193 = tpu.memref_slice %arg11[%dma_start3A_190, %dma_start3A_191, %dma_start3A_192] : memref<8x8x129xf32, #tpu.memory_space<vmem>> -> memref<8x8x128xf32, #tpu.memory_space<vmem>>
      tpu.enqueue_dma source(%dma_start3A_193 : memref<8x8x128xf32, #tpu.memory_space<vmem>>) target(%dma_start3A_189 : memref<8x8x128xf32, #tpu.memory_space<hbm>>) target_semaphore(%arg15 : memref<!tpu.dma_semaphore, #tpu.memory_space<semaphore_mem>>)
      %lt3A = arith.constant 99 : i32
      %lt3A_194 = arith.cmpi slt, %add3A_151, %lt3A : i32
      %convert_element_type3A_195 = arith.extui %lt3A_194 : i1 to i32
      %cond3A_196 = arith.constant 0 : i32
      %cond3A_197 = arith.cmpi ne, %convert_element_type3A_195, %cond3A_196 : i32
      scf.if %cond3A_197 {
        %add3A_252 = arith.constant 2 : i32
        %add3A_253 = arith.addi %mul3A_153, %add3A_252 : i32
        %dma_start3A_254 = arith.constant 0 : i32
        %dma_start3A_255 = tpu.memref_slice %arg7[%add3A_253, %dma_start3A_254] : memref<200x128xi32, #tpu.memory_space<vmem>> -> memref<1x128xi32, #tpu.memory_space<vmem>>
        %dma_start3A_256 = tpu.memref_squeeze %dma_start3A_255 : memref<1x128xi32, #tpu.memory_space<vmem>> -> memref<128xi32, #tpu.memory_space<vmem>>
        %dma_start3A_257 = arith.constant 0 : i32
        %dma_start3A_258 = arith.constant 0 : i32
        %dma_start3A_259 = tpu.memref_slice %arg3[%dma_start3A_257, %dma_start3A_258] : memref<1000000x128xf32, #tpu.memory_space<hbm>> -> memref<1000000x128xf32, #tpu.memory_space<hbm>>
        tpu.enqueue_indirect_dma source(%dma_start3A_259 : memref<1000000x128xf32, #tpu.memory_space<hbm>>) target(%arg9 : memref<128x128xf32, #tpu.memory_space<vmem>>) offsets(%dma_start3A_256 : memref<128xi32, #tpu.memory_space<vmem>>) semaphore(%arg13 : memref<!tpu.dma_semaphore, #tpu.memory_space<semaphore_mem>>)
      } else {
      }
      %mul3A_198 = arith.constant 2 : i32
      %mul3A_199 = arith.muli %mul3A_198, %add3A_151 : i32
      %add3A_200 = arith.constant 1 : i32
      %add3A_201 = arith.addi %mul3A_199, %add3A_200 : i32
      %dma_wait3A_202 = arith.constant 0 : i32
      %dma_wait3A_203 = arith.constant 0 : i32
      %dma_wait3A_204 = tpu.memref_slice %arg7[%dma_wait3A_202, %dma_wait3A_203] : memref<200x128xi32, #tpu.memory_space<vmem>> -> memref<1x128xi32, #tpu.memory_space<vmem>>
      %dma_wait3A_205 = tpu.memref_squeeze %dma_wait3A_204 : memref<1x128xi32, #tpu.memory_space<vmem>> -> memref<128xi32, #tpu.memory_space<vmem>>
      %dma_wait3A_206 = arith.constant 0 : i32
      %dma_wait3A_207 = arith.constant 0 : i32
      %dma_wait3A_208 = tpu.memref_slice %arg3[%dma_wait3A_206, %dma_wait3A_207] : memref<1000000x128xf32, #tpu.memory_space<hbm>> -> memref<1000000x128xf32, #tpu.memory_space<hbm>>
      tpu.wait_indirect_dma semaphore(%arg14 : memref<!tpu.dma_semaphore, #tpu.memory_space<semaphore_mem>>) src(%dma_wait3A_208 : memref<1000000x128xf32, #tpu.memory_space<hbm>>) dst(%arg10 : memref<128x128xf32, #tpu.memory_space<vmem>>)
      %gt3A_209 = arith.constant 0 : i32
      %gt3A_210 = arith.cmpi sgt, %add3A_151, %gt3A_209 : i32
      %convert_element_type3A_211 = arith.extui %gt3A_210 : i1 to i32
      %cond3A_212 = arith.constant 0 : i32
      %cond3A_213 = arith.cmpi ne, %convert_element_type3A_211, %cond3A_212 : i32
      scf.if %cond3A_213 {
        %dma_wait3A_252 = arith.constant 0 : i32
        %dma_wait3A_253 = arith.constant 0 : i32
        %dma_wait3A_254 = arith.constant 0 : i32
        %dma_wait3A_255 = arith.constant 0 : i32
        %dma_wait3A_256 = arith.constant 0 : i32
        %dma_wait3A_257 = tpu.memref_slice %arg12[%dma_wait3A_254, %dma_wait3A_255, %dma_wait3A_256] : memref<8x8x129xf32, #tpu.memory_space<vmem>> -> memref<8x8x128xf32, #tpu.memory_space<vmem>>
        %dma_wait3A_258 = arith.constant 0 : i32
        %dma_wait3A_259 = arith.constant 0 : i32
        %dma_wait3A_260 = arith.constant 0 : i32
        %dma_wait3A_261 = tpu.memref_slice %arg5[%dma_wait3A_252, %dma_wait3A_258, %dma_wait3A_253, %dma_wait3A_259, %dma_wait3A_260] : memref<200x8x32x8x128xf32, #tpu.memory_space<hbm>> -> memref<1x8x1x8x128xf32, #tpu.memory_space<hbm>>
        %dma_wait3A_262 = tpu.memref_squeeze %dma_wait3A_261 : memref<1x8x1x8x128xf32, #tpu.memory_space<hbm>> -> memref<8x8x128xf32, #tpu.memory_space<hbm>>
        %dma_wait3A_263 = arith.constant 0 : i32
        %dma_wait3A_264 = arith.constant 0 : i32
        %dma_wait3A_265 = arith.constant 0 : i32
        %dma_wait3A_266 = tpu.memref_slice %arg5[%dma_wait3A_252, %dma_wait3A_263, %dma_wait3A_253, %dma_wait3A_264, %dma_wait3A_265] : memref<200x8x32x8x128xf32, #tpu.memory_space<hbm>> -> memref<1x8x1x8x128xf32, #tpu.memory_space<hbm>>
        %dma_wait3A_267 = tpu.memref_squeeze %dma_wait3A_266 : memref<1x8x1x8x128xf32, #tpu.memory_space<hbm>> -> memref<8x8x128xf32, #tpu.memory_space<hbm>>
        %dma_wait3A_268 = arith.constant 0 : i32
        %dma_wait3A_269 = arith.constant 0 : i32
        %dma_wait3A_270 = arith.constant 0 : i32
        %dma_wait3A_271 = tpu.memref_slice %arg12[%dma_wait3A_268, %dma_wait3A_269, %dma_wait3A_270] : memref<8x8x129xf32, #tpu.memory_space<vmem>> -> memref<8x8x128xf32, #tpu.memory_space<vmem>>
        tpu.wait_dma2 semaphore(%arg16 : memref<!tpu.dma_semaphore, #tpu.memory_space<semaphore_mem>>) src(%dma_wait3A_271 : memref<8x8x128xf32, #tpu.memory_space<vmem>>) dst(%dma_wait3A_267 : memref<8x8x128xf32, #tpu.memory_space<hbm>>)
      } else {
      }
      %get3A_214 = arith.index_cast %add3A_201 : i32 to index
      %get3A_215 = arith.constant 0 : index
      %get3A_216 = tpu.vector_load %arg8[%get3A_214, %get3A_215] {strides = array<i32>} : memref<200x64xf32, #tpu.memory_space<vmem>>, vector<16xf32>,
      %get3A_217 = arith.index_cast %add3A_201 : i32 to index
      %get3A_218 = arith.constant 16 : index
      %get3A_219 = tpu.vector_load %arg8[%get3A_217, %get3A_218] {strides = array<i32>} : memref<200x64xf32, #tpu.memory_space<vmem>>, vector<16xf32>,
      %get3A_220 = arith.index_cast %add3A_201 : i32 to index
      %get3A_221 = arith.constant 32 : index
      %get3A_222 = tpu.vector_load %arg8[%get3A_220, %get3A_221] {strides = array<i32>} : memref<200x64xf32, #tpu.memory_space<vmem>>, vector<16xf32>,
      %get3A_223 = arith.index_cast %add3A_201 : i32 to index
      %get3A_224 = arith.constant 48 : index
      %get3A_225 = tpu.vector_load %arg8[%get3A_223, %get3A_224] {strides = array<i32>} : memref<200x64xf32, #tpu.memory_space<vmem>>, vector<16xf32>,
      %parallel_loop3A_226 = arith.constant 0 : i32
      %parallel_loop3A_227 = arith.constant 128 : i32
      %parallel_loop3A_228 = arith.constant 1 : i32
      scf.for %parallel_loop3A_252 = %parallel_loop3A_226 to %parallel_loop3A_227 step %parallel_loop3A_228  : i32 {
        %parallel_loop3A_253 = vector.broadcast %parallel_loop3A_252 : i32 to vector<16xi32>
        %parallel_loop3A_254 = arith.index_cast %parallel_loop3A_252 : i32 to index
        %parallel_loop3A_255 = arith.constant 0 : index
        %parallel_loop3A_256 = tpu.vector_load %arg10[%parallel_loop3A_254, %parallel_loop3A_255] {strides = array<i32>} : memref<128x128xf32, #tpu.memory_space<vmem>>, vector<16xf32>,
        %parallel_loop3A_257 = arith.constant 8.000000e+00 : f32
        %parallel_loop3A_258 = vector.broadcast %parallel_loop3A_257 : f32 to vector<16xf32>
        %parallel_loop3A_259 = arith.mulf %parallel_loop3A_256, %parallel_loop3A_258 : vector<16xf32>
        %parallel_loop3A_260 = arith.addf %parallel_loop3A_259, %get3A_216 : vector<16xf32>
        tpu.vector_store_idx %arg12[%shift_right_arithmetic3A_48, %and3A_71, %parallel_loop3A_253], %parallel_loop3A_260 : memref<8x8x129xf32, #tpu.memory_space<vmem>>[vector<16xi32>, vector<16xi32>, vector<16xi32>], vector<16xf32>,
        %parallel_loop3A_261 = arith.index_cast %parallel_loop3A_252 : i32 to index
        %parallel_loop3A_262 = arith.constant 16 : index
        %parallel_loop3A_263 = tpu.vector_load %arg10[%parallel_loop3A_261, %parallel_loop3A_262] {strides = array<i32>} : memref<128x128xf32, #tpu.memory_space<vmem>>, vector<16xf32>,
        %parallel_loop3A_264 = arith.constant 8.000000e+00 : f32
        %parallel_loop3A_265 = vector.broadcast %parallel_loop3A_264 : f32 to vector<16xf32>
        %parallel_loop3A_266 = arith.mulf %parallel_loop3A_263, %parallel_loop3A_265 : vector<16xf32>
        %parallel_loop3A_267 = arith.addf %parallel_loop3A_266, %get3A_219 : vector<16xf32>
        tpu.vector_store_idx %arg12[%shift_right_arithmetic3A_54, %and3A_77, %parallel_loop3A_253], %parallel_loop3A_267 : memref<8x8x129xf32, #tpu.memory_space<vmem>>[vector<16xi32>, vector<16xi32>, vector<16xi32>], vector<16xf32>,
        %parallel_loop3A_268 = arith.index_cast %parallel_loop3A_252 : i32 to index
        %parallel_loop3A_269 = arith.constant 32 : index
        %parallel_loop3A_270 = tpu.vector_load %arg10[%parallel_loop3A_268, %parallel_loop3A_269] {strides = array<i32>} : memref<128x128xf32, #tpu.memory_space<vmem>>, vector<16xf32>,
        %parallel_loop3A_271 = arith.constant 8.000000e+00 : f32
        %parallel_loop3A_272 = vector.broadcast %parallel_loop3A_271 : f32 to vector<16xf32>
        %parallel_loop3A_273 = arith.mulf %parallel_loop3A_270, %parallel_loop3A_272 : vector<16xf32>
        %parallel_loop3A_274 = arith.addf %parallel_loop3A_273, %get3A_222 : vector<16xf32>
        tpu.vector_store_idx %arg12[%shift_right_arithmetic3A_60, %and3A_83, %parallel_loop3A_253], %parallel_loop3A_274 : memref<8x8x129xf32, #tpu.memory_space<vmem>>[vector<16xi32>, vector<16xi32>, vector<16xi32>], vector<16xf32>,
        %parallel_loop3A_275 = arith.index_cast %parallel_loop3A_252 : i32 to index
        %parallel_loop3A_276 = arith.constant 48 : index
        %parallel_loop3A_277 = tpu.vector_load %arg10[%parallel_loop3A_275, %parallel_loop3A_276] {strides = array<i32>} : memref<128x128xf32, #tpu.memory_space<vmem>>, vector<16xf32>,
        %parallel_loop3A_278 = arith.constant 8.000000e+00 : f32
        %parallel_loop3A_279 = vector.broadcast %parallel_loop3A_278 : f32 to vector<16xf32>
        %parallel_loop3A_280 = arith.mulf %parallel_loop3A_277, %parallel_loop3A_279 : vector<16xf32>
        %parallel_loop3A_281 = arith.addf %parallel_loop3A_280, %get3A_225 : vector<16xf32>
        tpu.vector_store_idx %arg12[%shift_right_arithmetic3A_66, %and3A_89, %parallel_loop3A_253], %parallel_loop3A_281 : memref<8x8x129xf32, #tpu.memory_space<vmem>>[vector<16xi32>, vector<16xi32>, vector<16xi32>], vector<16xf32>,
      } {sc.loop_unroll_factor = 8 : i64, sc.parallel_access}
      %dma_start3A_229 = arith.constant 0 : i32
      %dma_start3A_230 = arith.constant 0 : i32
      %dma_start3A_231 = arith.constant 0 : i32
      %dma_start3A_232 = tpu.memref_slice %arg12[%dma_start3A_229, %dma_start3A_230, %dma_start3A_231] : memref<8x8x129xf32, #tpu.memory_space<vmem>> -> memref<8x8x128xf32, #tpu.memory_space<vmem>>
      %dma_start3A_233 = arith.constant 0 : i32
      %dma_start3A_234 = arith.constant 0 : i32
      %dma_start3A_235 = arith.constant 0 : i32
      %dma_start3A_236 = tpu.memref_slice %arg5[%add3A_201, %dma_start3A_233, %add3A, %dma_start3A_234, %dma_start3A_235] : memref<200x8x32x8x128xf32, #tpu.memory_space<hbm>> -> memref<1x8x1x8x128xf32, #tpu.memory_space<hbm>>
      %dma_start3A_237 = tpu.memref_squeeze %dma_start3A_236 : memref<1x8x1x8x128xf32, #tpu.memory_space<hbm>> -> memref<8x8x128xf32, #tpu.memory_space<hbm>>
      %dma_start3A_238 = arith.constant 0 : i32
      %dma_start3A_239 = arith.constant 0 : i32
      %dma_start3A_240 = arith.constant 0 : i32
      %dma_start3A_241 = tpu.memref_slice %arg5[%add3A_201, %dma_start3A_238, %add3A, %dma_start3A_239, %dma_start3A_240] : memref<200x8x32x8x128xf32, #tpu.memory_space<hbm>> -> memref<1x8x1x8x128xf32, #tpu.memory_space<hbm>>
      %dma_start3A_242 = tpu.memref_squeeze %dma_start3A_241 : memref<1x8x1x8x128xf32, #tpu.memory_space<hbm>> -> memref<8x8x128xf32, #tpu.memory_space<hbm>>
      %dma_start3A_243 = arith.constant 0 : i32
      %dma_start3A_244 = arith.constant 0 : i32
      %dma_start3A_245 = arith.constant 0 : i32
      %dma_start3A_246 = tpu.memref_slice %arg12[%dma_start3A_243, %dma_start3A_244, %dma_start3A_245] : memref<8x8x129xf32, #tpu.memory_space<vmem>> -> memref<8x8x128xf32, #tpu.memory_space<vmem>>
      tpu.enqueue_dma source(%dma_start3A_246 : memref<8x8x128xf32, #tpu.memory_space<vmem>>) target(%dma_start3A_242 : memref<8x8x128xf32, #tpu.memory_space<hbm>>) target_semaphore(%arg16 : memref<!tpu.dma_semaphore, #tpu.memory_space<semaphore_mem>>)
      %lt3A_247 = arith.constant 99 : i32
      %lt3A_248 = arith.cmpi slt, %add3A_151, %lt3A_247 : i32
      %convert_element_type3A_249 = arith.extui %lt3A_248 : i1 to i32
      %cond3A_250 = arith.constant 0 : i32
      %cond3A_251 = arith.cmpi ne, %convert_element_type3A_249, %cond3A_250 : i32
      scf.if %cond3A_251 {
        %add3A_252 = arith.constant 2 : i32
        %add3A_253 = arith.addi %add3A_201, %add3A_252 : i32
        %dma_start3A_254 = arith.constant 0 : i32
        %dma_start3A_255 = tpu.memref_slice %arg7[%add3A_253, %dma_start3A_254] : memref<200x128xi32, #tpu.memory_space<vmem>> -> memref<1x128xi32, #tpu.memory_space<vmem>>
        %dma_start3A_256 = tpu.memref_squeeze %dma_start3A_255 : memref<1x128xi32, #tpu.memory_space<vmem>> -> memref<128xi32, #tpu.memory_space<vmem>>
        %dma_start3A_257 = arith.constant 0 : i32
        %dma_start3A_258 = arith.constant 0 : i32
        %dma_start3A_259 = tpu.memref_slice %arg3[%dma_start3A_257, %dma_start3A_258] : memref<1000000x128xf32, #tpu.memory_space<hbm>> -> memref<1000000x128xf32, #tpu.memory_space<hbm>>
        tpu.enqueue_indirect_dma source(%dma_start3A_259 : memref<1000000x128xf32, #tpu.memory_space<hbm>>) target(%arg10 : memref<128x128xf32, #tpu.memory_space<vmem>>) offsets(%dma_start3A_256 : memref<128xi32, #tpu.memory_space<vmem>>) semaphore(%arg14 : memref<!tpu.dma_semaphore, #tpu.memory_space<semaphore_mem>>)
      } else {
      }
    }
    %scan3A_107 = arith.constant 100 : i32
    %dma_wait3A = arith.constant 0 : i32
    %dma_wait3A_108 = arith.constant 0 : i32
    %dma_wait3A_109 = arith.constant 0 : i32
    %dma_wait3A_110 = arith.constant 0 : i32
    %dma_wait3A_111 = arith.constant 0 : i32
    %dma_wait3A_112 = tpu.memref_slice %arg11[%dma_wait3A_109, %dma_wait3A_110, %dma_wait3A_111] : memref<8x8x129xf32, #tpu.memory_space<vmem>> -> memref<8x8x128xf32, #tpu.memory_space<vmem>>
    %dma_wait3A_113 = arith.constant 0 : i32
    %dma_wait3A_114 = arith.constant 0 : i32
    %dma_wait3A_115 = arith.constant 0 : i32
    %dma_wait3A_116 = tpu.memref_slice %arg5[%dma_wait3A, %dma_wait3A_113, %dma_wait3A_108, %dma_wait3A_114, %dma_wait3A_115] : memref<200x8x32x8x128xf32, #tpu.memory_space<hbm>> -> memref<1x8x1x8x128xf32, #tpu.memory_space<hbm>>
    %dma_wait3A_117 = tpu.memref_squeeze %dma_wait3A_116 : memref<1x8x1x8x128xf32, #tpu.memory_space<hbm>> -> memref<8x8x128xf32, #tpu.memory_space<hbm>>
    %dma_wait3A_118 = arith.constant 0 : i32
    %dma_wait3A_119 = arith.constant 0 : i32
    %dma_wait3A_120 = arith.constant 0 : i32
    %dma_wait3A_121 = tpu.memref_slice %arg5[%dma_wait3A, %dma_wait3A_118, %dma_wait3A_108, %dma_wait3A_119, %dma_wait3A_120] : memref<200x8x32x8x128xf32, #tpu.memory_space<hbm>> -> memref<1x8x1x8x128xf32, #tpu.memory_space<hbm>>
    %dma_wait3A_122 = tpu.memref_squeeze %dma_wait3A_121 : memref<1x8x1x8x128xf32, #tpu.memory_space<hbm>> -> memref<8x8x128xf32, #tpu.memory_space<hbm>>
    %dma_wait3A_123 = arith.constant 0 : i32
    %dma_wait3A_124 = arith.constant 0 : i32
    %dma_wait3A_125 = arith.constant 0 : i32
    %dma_wait3A_126 = tpu.memref_slice %arg11[%dma_wait3A_123, %dma_wait3A_124, %dma_wait3A_125] : memref<8x8x129xf32, #tpu.memory_space<vmem>> -> memref<8x8x128xf32, #tpu.memory_space<vmem>>
    tpu.wait_dma2 semaphore(%arg15 : memref<!tpu.dma_semaphore, #tpu.memory_space<semaphore_mem>>) src(%dma_wait3A_126 : memref<8x8x128xf32, #tpu.memory_space<vmem>>) dst(%dma_wait3A_122 : memref<8x8x128xf32, #tpu.memory_space<hbm>>)
    %dma_wait3A_127 = arith.constant 0 : i32
    %dma_wait3A_128 = arith.constant 0 : i32
    %dma_wait3A_129 = arith.constant 0 : i32
    %dma_wait3A_130 = arith.constant 0 : i32
    %dma_wait3A_131 = arith.constant 0 : i32
    %dma_wait3A_132 = tpu.memref_slice %arg12[%dma_wait3A_129, %dma_wait3A_130, %dma_wait3A_131] : memref<8x8x129xf32, #tpu.memory_space<vmem>> -> memref<8x8x128xf32, #tpu.memory_space<vmem>>
    %dma_wait3A_133 = arith.constant 0 : i32
    %dma_wait3A_134 = arith.constant 0 : i32
    %dma_wait3A_135 = arith.constant 0 : i32
    %dma_wait3A_136 = tpu.memref_slice %arg5[%dma_wait3A_127, %dma_wait3A_133, %dma_wait3A_128, %dma_wait3A_134, %dma_wait3A_135] : memref<200x8x32x8x128xf32, #tpu.memory_space<hbm>> -> memref<1x8x1x8x128xf32, #tpu.memory_space<hbm>>
    %dma_wait3A_137 = tpu.memref_squeeze %dma_wait3A_136 : memref<1x8x1x8x128xf32, #tpu.memory_space<hbm>> -> memref<8x8x128xf32, #tpu.memory_space<hbm>>
    %dma_wait3A_138 = arith.constant 0 : i32
    %dma_wait3A_139 = arith.constant 0 : i32
    %dma_wait3A_140 = arith.constant 0 : i32
    %dma_wait3A_141 = tpu.memref_slice %arg5[%dma_wait3A_127, %dma_wait3A_138, %dma_wait3A_128, %dma_wait3A_139, %dma_wait3A_140] : memref<200x8x32x8x128xf32, #tpu.memory_space<hbm>> -> memref<1x8x1x8x128xf32, #tpu.memory_space<hbm>>
    %dma_wait3A_142 = tpu.memref_squeeze %dma_wait3A_141 : memref<1x8x1x8x128xf32, #tpu.memory_space<hbm>> -> memref<8x8x128xf32, #tpu.memory_space<hbm>>
    %dma_wait3A_143 = arith.constant 0 : i32
    %dma_wait3A_144 = arith.constant 0 : i32
    %dma_wait3A_145 = arith.constant 0 : i32
    %dma_wait3A_146 = tpu.memref_slice %arg12[%dma_wait3A_143, %dma_wait3A_144, %dma_wait3A_145] : memref<8x8x129xf32, #tpu.memory_space<vmem>> -> memref<8x8x128xf32, #tpu.memory_space<vmem>>
    tpu.wait_dma2 semaphore(%arg16 : memref<!tpu.dma_semaphore, #tpu.memory_space<semaphore_mem>>) src(%dma_wait3A_146 : memref<8x8x128xf32, #tpu.memory_space<vmem>>) dst(%dma_wait3A_142 : memref<8x8x128xf32, #tpu.memory_space<hbm>>)
    return
  }
}

</mosaic_0001>

<sc_bundles>
// kernel: kernel.3.cloned.1.call-start
scs
__scs_entry_jumppad:
0x0: {  	(pc) =	sbr.rel $0x88, $3  }
0x1: {  	(tag) =	ssettag $0x0;
	lr =	simm.s32 $0x1  }
0x2: {  	[smem:$0x3F9F] =	sst lr;
	_ =	strace $0xD0000000  }
0x3: {  	_ = 	snop  }
0x4: {  	_ = 	snop  }
0x5: {  	_ = 	snop  }
0x6: {  	_ = 	snop  }
0x7: {  	_ = 	snop  }
__scs_overlays_trampoline_lowered:
0x8: {  	[smem:$0x3FAE] =	sst s0  }
0x9: {  	[smem:$0x3FAF] =	sst s1  }
0xa: {  	[smem:$0x3FB0] =	sst s2  }
0xb: {  	[smem:$0x3FB1] =	sst s3  }
0xc: {  	[smem:$0x3FB2] =	sst s4  }
0xd: {  	[smem:$0x3FB3] =	sst s5  }
0xe: {  	[smem:$0x3FB4] =	sst s6  }
0xf: {  	[smem:$0x3FB5] =	sst s7  }
0x10: {  	[smem:$0x3FB6] =	sst s8  }
0x11: {  	[smem:$0x3FB7] =	sst s9;
	s0 =	simm.s32 @!p0 $0x0  }
0x12: {  	s1 =	sld [smem:$0x3F9D];
	s0 =	simm.s32 @p0 $0x1  }
0x13: {  	[smem:$0x3FB8] =	sst s0;
	s0 =	simm.s32 @!p1 $0x0  }
0x14: {  	s2 =	sld [smem:$0x3F9C];
	s0 =	simm.s32 @p1 $0x1  }
0x15: {  	[smem:$0x3FB9] =	sst s0;
	s0 =	simm.s32 @!p2 $0x0  }
0x16: {  	s3 =	sld [smem:$0x3FDB];
	s0 =	simm.s32 @p2 $0x1  }
0x17: {  	s4 =	simm.s32 $0x1BF5;
	[smem:$0x3FBB] =	sst s0  }
0x18: {  	s0 =	sld [smem:$0x3F9E];
	_ =	swait.ge [sflag:s4], $0x0  }
0x19: {  	s7 =	sld [smem:$0x3F9F]  }
0x1a: {  	s8 =	sadd.s32 $0xFFFFE003, lr  }
0x1b: {  	s9 =	sadd.s32 $0xFFFFFEF7, lr;
	s5 =	simm.s32 $0xFFFFFFFF;
	p2 =	slt.u32 s8, $0xFFFFF086  }
0x1c: {  	p1 =	slt.u32 s9, $0xF7A;
	s5 =	simm.s32 @!p2 $0x0  }
0x1d: {  	s5 =	simm.s32 @p1 $0x1;
	p0 =	seq.s32 s7, s2  }
0x1e: {  	s7 =	smul.u32 @!p0 $0xF7A, s2;
	p2 =	seq.s32 @!p0 s5, $0x0  }
0x1f: {  	s9 =	smul.u32 $0xF7A, s1;
	s8 =	simm.s32 @!p0 $0x1BF5;
	p2 =	por !p2, p0  }
0x20: {  	[sflag:s8] =	ssyncset.s32 @!p0 $0xFFFFF086;
	s6 =	sadd.s32 @!p0 s3, s7;
	s7 =	simm.s32 @!p0 $0x108  }
0x21: {  	s3 =	sadd.s32 s3, s9;
	s6 =	sadd.s32 @!p0 $0x88, s6;
	s7 =	simm.s32 @p2 $0x1082  }
0x22: {  	[simem:s7], [sflag:s8] =	dma.local @!p0 [hbm:s6], $0xF7A  }
0x23: {  	s9 =	sor.u32 $0xD0000000, s2;
	s6 =	simm.s32 $0x108;
	_ =	swait.ge @!p0 [sflag:s8], $0x0  }
0x24: {  	s3 =	sadd.s32 $0x88, s3;
	s6 =	simm.s32 @!p1 $0x1082;
	[sflag:s4] =	ssyncset.s32 $0xFFFFF086  }
0x25: {  	[simem:s6], [sflag:s4] =	dma.local [hbm:s3], $0xF7A  }
0x26: {  	[smem:$0x3F9F] =	sst s1;
	(tag) =	ssettag s2;
	_ =	strace s9  }
0x27: {  	s1 =	sld [smem:$0x3FAF]  }
0x28: {  	s2 =	sld [smem:$0x3FB0]  }
0x29: {  	s4 =	sld [smem:$0x3FB2]  }
0x2a: {  	p0 =	seq.s32 s5, $0x0;
	s5 =	sld [smem:$0x3FB3]  }
0x2b: {  	s6 =	sld [smem:$0x3FB4]  }
0x2c: {  	s7 =	sld [smem:$0x3FB5]  }
0x2d: {  	s3 =	simm.s32 $0x108;
	s8 =	sld [smem:$0x3FB6]  }
0x2e: {  	s3 =	simm.s32 @!p0 $0x1082;
	s9 =	sld [smem:$0x3FB7]  }
0x2f: {  	lr =	sadd.s32 s0, s3;
	s0 =	sld [smem:$0x3FAE]  }
0x30: {  	s3 =	sld [smem:$0x3FB1]  }
0x31: {  	[smem:$0x3FBA] =	sst s10  }
0x32: {  	s10 =	sld [smem:$0x3FB8];
	_ =	sdelay $0x3  }
0x33: {  	p0 =	seq.s32 s10, $0x1;
	s10 =	sld [smem:$0x3FBA];
	_ =	sdelay $0x3  }
0x34: {  	[smem:$0x3FBA] =	sst s10  }
0x35: {  	s10 =	sld [smem:$0x3FB9];
	_ =	sdelay $0x3  }
0x36: {  	p1 =	seq.s32 s10, $0x1;
	s10 =	sld [smem:$0x3FBA];
	_ =	sdelay $0x3  }
0x37: {  	[smem:$0x3FBA] =	sst s10  }
0x38: {  	s10 =	sld [smem:$0x3FBB]  }
0x39: {  	_ = 	snop;
	(pc) =	sbr.ind lr, $3  }
0x3a: {  	_ = 	snop  }
0x3b: {  	_ = 	snop  }
0x3c: {  	p2 =	seq.s32 s10, $0x1;
	s10 =	sld [smem:$0x3FBA]  }
0x3d: {  	_ =	shalt  }
0x3e: {  	_ =	shalt  }
0x3f: {  	_ =	shalt  }
0x40: {  	_ =	shalt  }
0x41: {  	_ =	shalt  }
0x42: {  	_ =	shalt  }
0x43: {  	_ =	shalt  }
0x44: {  	_ =	shalt  }
0x45: {  	_ =	shalt  }
0x46: {  	_ =	shalt  }
0x47: {  	_ =	shalt  }
0x48: {  	_ =	shalt  }
0x49: {  	_ =	shalt  }
0x4a: {  	_ =	shalt  }
0x4b: {  	_ =	shalt  }
0x4c: {  	_ =	shalt  }
0x4d: {  	_ =	shalt  }
0x4e: {  	_ =	shalt  }
0x4f: {  	_ =	shalt  }
0x50: {  	_ =	shalt  }
0x51: {  	_ =	shalt  }
0x52: {  	_ =	shalt  }
0x53: {  	_ =	shalt  }
0x54: {  	_ =	shalt  }
0x55: {  	_ =	shalt  }
0x56: {  	_ =	shalt  }
0x57: {  	_ =	shalt  }
0x58: {  	_ =	shalt  }
0x59: {  	_ =	shalt  }
0x5a: {  	_ =	shalt  }
0x5b: {  	_ =	shalt  }
0x5c: {  	_ =	shalt  }
0x5d: {  	_ =	shalt  }
0x5e: {  	_ =	shalt  }
0x5f: {  	_ =	shalt  }
0x60: {  	_ =	shalt  }
0x61: {  	_ =	shalt  }
0x62: {  	_ =	shalt  }
0x63: {  	_ =	shalt  }
0x64: {  	_ =	shalt  }
0x65: {  	_ =	shalt  }
0x66: {  	_ =	shalt  }
0x67: {  	_ =	shalt  }
0x68: {  	_ =	shalt  }
0x69: {  	_ =	shalt  }
0x6a: {  	_ =	shalt  }
0x6b: {  	_ =	shalt  }
0x6c: {  	_ =	shalt  }
0x6d: {  	_ =	shalt  }
0x6e: {  	_ =	shalt  }
0x6f: {  	_ =	shalt  }
0x70: {  	_ =	shalt  }
0x71: {  	_ =	shalt  }
0x72: {  	_ =	shalt  }
0x73: {  	_ =	shalt  }
0x74: {  	_ =	shalt  }
0x75: {  	_ =	shalt  }
0x76: {  	_ =	shalt  }
0x77: {  	_ =	shalt  }
0x78: {  	_ =	shalt  }
0x79: {  	_ =	shalt  }
0x7a: {  	_ =	shalt  }
0x7b: {  	_ =	shalt  }
0x7c: {  	_ =	shalt  }
0x7d: {  	_ =	shalt  }
0x7e: {  	_ =	shalt  }
0x7f: {  	_ =	shalt  }
0x80: {  	_ =	shalt  }
0x81: {  	_ =	shalt  }
0x82: {  	_ =	shalt  }
0x83: {  	_ =	shalt  }
0x84: {  	_ =	shalt  }
0x85: {  	_ =	shalt  }
0x86: {  	_ =	shalt  }
0x87: {  	_ =	shalt  }
.Lfunc_end0:
.L_simem_size_0:
called_computation_lowered:
.L_overlay_start_0:
0x88: {  	s2 =	sld [smem:$0x3FD9]  }
0x89: {  	s3 =	sld [smem:$0x3FFE];
	_ =	sdelay $0x1  }
0x8a: {  	s1 =	srdreg.scid  }
0x8b: {  	s0 =	sand.u32 $0x1, s1  }
0x8c: {  	s17 =	sshll.u32 s0, $0xA;
	s2 =	sadd.s32 s3, s2  }
0x8d: {  	s2 =	sadd.s32 s2, s17  }
0x8e: {  	[smem:$0x3FC6] =	sst s2  }
0x8f: {  	_ = 	snop  }
0x90: {  	s2 =	sld [smem:$0x3FD0];
	(tm) =	ssettm $0x1  }
0x91: {  	s18 =	sld [smem:$0x3FFB];
	_ =	sdelay $0x3  }
0x92: {  	_ =	strace s18  }
0x93: {  	s3 =	sld [smem:$0x3FFC];
	_ =	sdelay $0x3  }
0x94: {  	_ =	strace s3  }
0x95: {  	s3 =	sld [smem:$0x3FFD];
	_ =	sdelay $0x3  }
0x96: {  	_ =	strace s3  }
0x97: {  	_ =	strace $0x8FFFFFFF  }
0x98: {  	s19 =	sld [smem:$0x3FDB];
	_ =	sdelay $0x1  }
0x99: {  	s4 =	simm.s32 $_scs_section_size  }
0x9a: {  	s5 =	simm.s32 $_size__tile_overlayer_lowered;
	s6 =	simm.s32 $_tile_overlayer_lowered  }
0x9b: {  	s22 =	simm.s32 $0x1BFF;
	s21 =	sshll.u32 s6, $0x1;
	s3 =	sadd.s32 s4, s19  }
0x9c: {  	s7 =	simm.s32 $0x0;
	s20 =	sshll.u32 s5, $0x1;
	s5 =	sadd.s32 s21, s3  }
0x9d: {  	[timem:s7], [sflag:s22] =	dma.local [hbm:s5], s20  }
0x9e: {  	_ =	swait.ge [sflag:s22], s20  }
0x9f: {  	s4 =	ssub.s32 $0x0, s20;
	[sflag:s22] =	ssyncset.done $0x0  }
0xa0: {  	[sflag:s22] =	ssyncadd.s32 s4;
	_ =	sdelay $0x1  }
0xa1: {  	s23 =	simm.s32 $0x1B8B  }
0xa2: {  	_ =	swait.ge [sflag:s23], $0x1  }
0xa3: {  	[sflag:s23] =	ssyncset.done $0x0  }
0xa4: {  	s25 =	simm.s32 $0x1B8E;
	s24 =	sld [smem:$0x3FFE];
	[sflag:s23] =	ssyncadd.s32 $0xFFFFFFFF  }
0xa5: {  	s26 =	simm.s32 $execute0_lowered;
	[smem:$0x3FD2] =	sst s25  }
0xa6: {  	s5 =	sshll.u32 s26, $0x1;
	_ =	strace $0x80000046;
	[dreg:$0x1] =	wrdreg $0xFFFFFFFF  }
0xa7: {  	s28 =	simm.s32 $_size_execute0_lowered;
	s3 =	sadd.s32 s3, s5;
	[dreg:$0x0] =	wrdreg $0x0  }
0xa8: {  	s5 =	sshll.u32 s28, $0x1;
	[dreg:$0x2] =	wrdreg s3  }
0xa9: {  	[dreg:$0x3] =	wrdreg s5  }
0xaa: {  	[dreg:$0x4] =	wrdreg $0xC0  }
0xab: {  	_ =	task [dreg:s7], $0x5FFFF  }
0xac: {  	[dreg:$0x1] =	wrdreg $0xFFFFFFFF  }
0xad: {  	[dreg:$0x0] =	wrdreg $0x60  }
0xae: {  	[dreg:$0x2] =	wrdreg s24  }
0xaf: {  	[dreg:$0x3] =	wrdreg s2  }
0xb0: {  	[dreg:$0x4] =	wrdreg $0x9  }
0xb1: {  	_ =	task.clear_ibuf [dreg:s7], $0x5FFFF;
	_ =	strace $0x90000046  }
0xb2: {  	s29 =	simm.s32 $0x9;
	_ =	strace $0x80000048  }
0xb3: {  	_ =	swait.ge [sflag:s29], $0x1  }
0xb4: {  	[sflag:s29] =	ssyncadd.s32 $0xFFFFFFFF  }
0xb5: {  	_ =	strace $0x90000048  }
0xb6: {  	_ =	sfence  }
0xb7: {  	s30 =	sld [smem:$0x0];
	_ =	sdelay $0x2  }
0xb8: {  	s31 =	sshll.u32 s1, $0xD;
	s1 =	sshrl.u32 s1, $0x2  }
0xb9: {  	s3 =	sand.u32 $0x4000, s31;
	s1 =	sadd.s32 s1, s30  }
0xba: {  	s0 =	sor.u32 s3, s0;
	s1 =	sshll.u32 s1, $0x11  }
0xbb: {  	s0 =	sor.u32 s1, s0  }
0xbc: {  	s0 =	sadd.s32 $0x8F2B, s0  }
0xbd: {  	[sflag:s0] =	ssyncadd.remote.s32 $0x1  }
0xbe: {  	_ =	sfence.sel $0xFFFF  }
0xbf: {  	[dreg:$0x0] =	wrdreg $0xFFFFFFFF;
	(pc) =	sbr.abs _section_cstart, $3  }
0xc0: {  	[dreg:$0x1] =	wrdreg $0xFFFFFFFF  }
0xc1: {  	_ =	task.clear_ibuf [dreg:s7], $0x2FFFF;
	_ =	strace $0x9FFFFFFF  }
0xc2: {  	(tm) =	ssettm $0x7FFFFFFF  }
0xc3: {  	_ =	shalt  }
tec
execute0_lowered:
.L_overlay_start_1:
0x0: {  	(tag) =	ssettag $0x1  }
0x1: {  	s1 =	srdreg.scid;
	s0 =	stileid.u32  }
0x2: {  	v2 =	vlaneseq.u32;
	s1 =	sand.u32 $0x1, s1;
	s3 =	sshll.u32 s0, $0x1  }
0x3: {  	s5 =	rddreg [dreg:$0x0];
	v0 =	vmul.u32 $0xC8, v2;
	s8 =	sor.u32 s1, s3;
	s3 =	simm.s32 $0x0  }
0x4: {  	[smem:$0x7FF] =	sst s3  }
0x5: {  	s2 =	rddreg [dreg:$0x1];
	v9 =	vmul.u32 $0x88, v2;
	v1 =	vadd.s32 $0xC80, v0;
	_ =	strace $0x80000047;
	[tilespmem:$0x1FE00] =	vst v0  }
0x6: {  	[tilespmem:$0x1FE10] =	vst v1  }
0x7: {  	v2 =	vadd.s32 $0x1900, v0;
	[tilespmem:$0x1FE20] =	vst v9  }
0x8: {  	v3 =	vadd.s32 $0x2580, v0;
	[tilespmem:$0x1FE30] =	vst v2  }
0x9: {  	v39 =	vadd.s32 $0x1100, v9;
	[tilespmem:$0x1FE40] =	vst v3  }
0xa: {  	v12 =	vadd.s32 $0x1980, v9;
	[tilespmem:$0x1FE50] =	vst v39  }
0xb: {  	v13 =	vor.u32 $0x1, v9;
	[tilespmem:$0x1FE60] =	vst v12  }
0xc: {  	v14 =	vadd.s32 $0x881, v9;
	[tilespmem:$0x1FE70] =	vst v13  }
0xd: {  	v23 =	vadd.s32 $0x1101, v9;
	[tilespmem:$0x1FE80] =	vst v14  }
0xe: {  	v16 =	vadd.s32 $0x1981, v9;
	[tilespmem:$0x1FE90] =	vst v23  }
0xf: {  	v17 =	vor.u32 $0x2, v9;
	[tilespmem:$0x1FEA0] =	vst v16  }
0x10: {  	v18 =	vadd.s32 $0x882, v9;
	[tilespmem:$0x1FEB0] =	vst v17  }
0x11: {  	v22 =	vadd.s32 $0x1102, v9;
	[tilespmem:$0x1FEC0] =	vst v18  }
0x12: {  	v20 =	vadd.s32 $0x1982, v9;
	[tilespmem:$0x1FED0] =	vst v22  }
0x13: {  	v21 =	vor.u32 $0x3, v9;
	[tilespmem:$0x1FEE0] =	vst v20  }
0x14: {  	v11 =	vadd.s32 $0x883, v9;
	[tilespmem:$0x1FEF0] =	vst v21  }
0x15: {  	v19 =	vadd.s32 $0x1103, v9;
	[tilespmem:$0x1FF00] =	vst v11  }
0x16: {  	v24 =	vadd.s32 $0x1983, v9;
	[tilespmem:$0x1FF10] =	vst v19  }
0x17: {  	v4 =	vor.u32 $0x4, v9;
	[tilespmem:$0x1FF20] =	vst v24  }
0x18: {  	v27 =	vadd.s32 $0x1104, v9;
	[tilespmem:$0x1FF30] =	vst v4  }
0x19: {  	v28 =	vadd.s32 $0x1984, v9;
	[tilespmem:$0x1FF40] =	vst v27  }
0x1a: {  	v29 =	vor.u32 $0x5, v9;
	[tilespmem:$0x1FF50] =	vst v28  }
0x1b: {  	v31 =	vadd.s32 $0x1105, v9;
	[tilespmem:$0x1FF60] =	vst v29  }
0x1c: {  	s10 =	simm.s32 $0x9600;
	s11 =	simm.s32 $0x5;
	s12 =	simm.s32 $0x80;
	v32 =	vadd.s32 $0x1985, v9;
	[tilespmem:$0x1FF70] =	vst v31  }
0x1d: {  	s13 =	simm.s32 $0x3200;
	s14 =	simm.s32 $0xC800;
	s15 =	simm.s32 $0x3280;
	v8 =	vor.u32 $0x6, v9;
	[tilespmem:$0x1FF80] =	vst v32  }
0x1e: {  	s16 =	simm.s32 $0x10800;
	s17 =	simm.s32 $0x1;
	s18 =	simm.s32 $0x14800;
	v35 =	vadd.s32 $0x1106, v9;
	[tilespmem:$0x1FF90] =	vst v8  }
0x1f: {  	s19 =	simm.s32 $0x2;
	s20 =	simm.s32 $0x16A00;
	s4 =	smul.u32 $0x6400, s8;
	v7 =	vor.u32 $0x7, v9;
	[tilespmem:$0x1FFA0] =	vst v35  }
.Ltmp0:
0x20: {  	s21 =	simm.s32 $0x3;
	s1 =	ssub.s32 $0x2, s1;
	v6 =	vadd.s32 $0x1986, v9;
	[tilespmem:$0x1FFB0] =	vst v7;
	(pc) =	sbr.rel .LBB2_1-.Ltmp0, $4  }
0x21: {  	vm0 =	vcmask $0x300;
	s22 =	simm.s32 $0x4;
	s23 =	simm.s32 $0x0;
	v10 =	vadd.s32 $0x880, v9;
	s9 =	sshrl.u32 s1, $0x1;
	v33 =	vadd.s32 $0x1107, v9;
	[tilespmem:$0x1FFC0] =	vst v6  }
0x22: {  	s8 =	sshll.u32 s8, $0xA;
	v26 =	vadd.s32 $0x884, v9;
	v30 =	vadd.s32 $0x885, v9;
	v36 =	vadd.s32 $0x1987, v9;
	s1 =	ssub.s32 s1, s9;
	[tilespmem:$0x1FFD0] =	vst v33;
	s4 =	sshrl.u32 s4, $0x3  }
0x23: {  	v5 =	vimm.s32 $0x0;
	v34 =	vadd.s32 $0x886, v9;
	[tilespmem:$0x1FFE0] =	vst v36;
	s7 =	sadd.s32 s4, s5;
	s4 =	sadd.s32 $0xF5C400, s5;
	s5 =	sadd.s32 $0xF5BC00, s5  }
0x24: {  	v5 =	vsel vm0, $0x3, v5;
	v25 =	vadd.s32 $0x887, v9;
	[tilespmem:$0x1FFF0] =	vst v10;
	s9 =	smax.u32 s1, $0x1;
	s6 =	sadd.s32 $0xF42C00, s7;
	s7 =	sadd.s32 $0xF43240, s7  }
.LBB2_16:
0x25: {  	_ =	swait.ge [sflag:s21], $0x2000  }
0x26: {  	[sflag:s21] =	ssyncset.done $0x0  }
0x27: {  	[sflag:s21] =	ssyncadd.s32 $0xFFFFE000  }
0x28: {  	_ =	swait.ge [sflag:s22], $0x2000  }
0x29: {  	s23 =	sadd.s32 $0x1, s23;
	v9 =	vld [tilespmem:$0x1FE20]  }
0x2a: {  	p0 =	sne.s32 s23, s9;
	v13 =	vld [tilespmem:$0x1FE70]  }
.Ltmp1:
0x2b: {  	v17 =	vld [tilespmem:$0x1FEB0];
	(pc) =	sbr.rel @!p0 .LBB2_17-.Ltmp1, $4  }
0x2c: {  	v21 =	vld [tilespmem:$0x1FEF0]  }
0x2d: {  	v4 =	vld [tilespmem:$0x1FF30]  }
0x2e: {  	[sflag:s22] =	ssyncset.done $0x0;
	v7 =	vld [tilespmem:$0x1FFB0]  }
0x2f: {  	v36 =	vld [tilespmem:$0x1FFE0];
	[sflag:s22] =	ssyncadd.s32 $0xFFFFE000  }
.LBB2_1:
0x30: {  	[tilespmem:s10], [sflag:$0x5] =	stream.linear.gather [hbm4b:s5+s3], $0x3200, $0x38;
	[tilespmem:$0x18C00] =	vst v63  }
0x31: {  	_ =	swait.ge [sflag:s11], $0x3200  }
0x32: {  	[sflag:s11] =	ssyncset.done $0x0  }
0x33: {  	v37 =	vadd.s32 s3, v0;
	[sflag:s11] =	ssyncadd.s32 $0xFFFFCE00  }
0x34: {  	[tilespmem:s3], [sflag:$0x5] =	stream.linear.gather [hbm4b:s6+s3], $0x3200, $0x38;
	[tilespmem:$0x18C00] =	vst v63  }
0x35: {  	_ =	swait.ge [sflag:s11], $0x3200  }
0x36: {  	[sflag:s11] =	ssyncset.done $0x0  }
0x37: {  	[sflag:s11] =	ssyncadd.s32 $0xFFFFCE00  }
0x38: {  	v37 =	vld.idx.msk [tilespmem:v37+s3+$0x0], $0xffff  }
0x39: {  	v38 =	vadd.s32 s3, v1;
	_ =	sdelay $0x2  }
0x3a: {  	s24 =	simm.s32 $0x3220  }
0x3b: {  	[tilespmem:s24+$0xFFFFFFE0] =	vst v37  }
0x3c: {  	v37 =	vld.idx.msk [tilespmem:v38+s3+$0x0], $0xffff  }
0x3d: {  	v62 =	vadd.s32 s3, v2;
	_ =	sdelay $0x3  }
0x3e: {  	[tilespmem:s24+$0xFFFFFFF0] =	vst v37  }
0x3f: {  	v37 =	vld.idx.msk [tilespmem:v62+s3+$0x0], $0xffff  }
0x40: {  	v63 =	vadd.s32 s3, v3;
	_ =	sdelay $0x3  }
0x41: {  	[tilespmem:s24+$0x0] =	vst v37  }
0x42: {  	s25 =	simm.s32 $0x1;
	v37 =	vld.idx.msk [tilespmem:v63+s3+$0x0], $0xffff  }
0x43: {  	s26 =	simm.s32 $0x2;
	v38 =	vadd.s32 s25, v0  }
.LBB2_2:
0x44: {  	p0 =	sne.s32 s26, $0xC7;
	_ =	sdelay $0x2  }
0x45: {  	[tilespmem:s24+$0x10] =	vst v37  }
0x46: {  	v37 =	vld.idx.msk [tilespmem:v38+s3+$0x0], $0xffff;
	_ =	sdelay $0x1  }
0x47: {  	v38 =	vadd.s32 s25, v1;
	_ =	sdelay $0x2  }
0x48: {  	s24 =	sadd.s32 $0x80, s24  }
0x49: {  	[tilespmem:s24+$0xFFFFFFE0] =	vst v37  }
0x4a: {  	v37 =	vld.idx.msk [tilespmem:v38+s3+$0x0], $0xffff;
	_ =	sdelay $0x1  }
0x4b: {  	v38 =	vadd.s32 s25, v2;
	_ =	sdelay $0x3  }
0x4c: {  	[tilespmem:s24+$0xFFFFFFF0] =	vst v37  }
0x4d: {  	v37 =	vld.idx.msk [tilespmem:v38+s3+$0x0], $0xffff;
	_ =	sdelay $0x1  }
0x4e: {  	v38 =	vadd.s32 s25, v3;
	s25 =	smov.u32 s26;
	_ =	sdelay $0x2  }
.Ltmp2:
0x4f: {  	(pc) =	sbr.rel @p0 .LBB2_2-.Ltmp2, $3  }
0x50: {  	[tilespmem:s24+$0x0] =	vst v37  }
0x51: {  	v37 =	vld.idx.msk [tilespmem:v38+s3+$0x0], $0xffff;
	_ =	sdelay $0x1  }
0x52: {  	s26 =	sadd.s32 $0x1, s26;
	v38 =	vadd.s32 s25, v0  }
0x53: {  	_ =	sdelay $0x2  }
0x54: {  	[tilespmem:s24+$0x10] =	vst v37  }
0x55: {  	v37 =	vld.idx.msk [tilespmem:v38+s3+$0x0], $0xffff  }
0x56: {  	v57 =	vadd.s32 s25, v1;
	_ =	sdelay $0x2  }
0x57: {  	s1 =	sadd.s32 $0x80, s24  }
0x58: {  	[tilespmem:s1+$0xFFFFFFE0] =	vst v37  }
0x59: {  	v37 =	vld.idx.msk [tilespmem:v57+s3+$0x0], $0xffff  }
0x5a: {  	v58 =	vadd.s32 s25, v2;
	_ =	sdelay $0x3  }
0x5b: {  	[tilespmem:s1+$0xFFFFFFF0] =	vst v37  }
0x5c: {  	v37 =	vld.idx.msk [tilespmem:v58+s3+$0x0], $0xffff  }
0x5d: {  	v59 =	vadd.s32 s25, v3;
	_ =	sdelay $0x3  }
0x5e: {  	[tilespmem:s1+$0x0] =	vst v37  }
0x5f: {  	v37 =	vld.idx.msk [tilespmem:v59+s3+$0x0], $0xffff;
	_ =	sdelay $0x3  }
0x60: {  	s31 =	simm.s32 $0x0  }
0x61: {  	v60 =	vadd.s32 s31, v0;
	[tilespmem:s1+$0x10] =	vst v37  }
0x62: {  	[tilespmem:s31], [sflag:$0x5] =	stream.linear.gather [hbm4b:s7+s31], $0x3200, $0x38;
	[tilespmem:$0x18C00] =	vst v63  }
0x63: {  	_ =	swait.ge [sflag:s11], $0x3200  }
0x64: {  	[sflag:s11] =	ssyncset.done $0x0  }
0x65: {  	[sflag:s11] =	ssyncadd.s32 $0xFFFFCE00  }
0x66: {  	v37 =	vld.idx.msk [tilespmem:v60+s3+$0x0], $0xffff  }
0x67: {  	v61 =	vadd.s32 s31, v1;
	_ =	sdelay $0x2  }
0x68: {  	s24 =	simm.s32 $0x3270  }
0x69: {  	[tilespmem:s24+$0xFFFFFFD0] =	vst v37  }
0x6a: {  	v37 =	vld.idx.msk [tilespmem:v61+s3+$0x0], $0xffff  }
0x6b: {  	v62 =	vadd.s32 s31, v2;
	_ =	sdelay $0x3  }
0x6c: {  	[tilespmem:s24+$0xFFFFFFE0] =	vst v37  }
0x6d: {  	v37 =	vld.idx.msk [tilespmem:v62+s3+$0x0], $0xffff  }
0x6e: {  	v63 =	vadd.s32 s31, v3;
	_ =	sdelay $0x3  }
0x6f: {  	[tilespmem:s24+$0xFFFFFFF0] =	vst v37  }
0x70: {  	s25 =	simm.s32 $0x1;
	v37 =	vld.idx.msk [tilespmem:v63+s3+$0x0], $0xffff  }
0x71: {  	s26 =	simm.s32 $0x2;
	v38 =	vadd.s32 s25, v0  }
.LBB2_4:
0x72: {  	p0 =	sne.s32 s26, $0xC7;
	_ =	sdelay $0x2  }
0x73: {  	[tilespmem:s24+$0x0] =	vst v37  }
0x74: {  	v37 =	vld.idx.msk [tilespmem:v38+s3+$0x0], $0xffff;
	_ =	sdelay $0x1  }
0x75: {  	v38 =	vadd.s32 s25, v1;
	_ =	sdelay $0x2  }
0x76: {  	s24 =	sadd.s32 $0x80, s24  }
0x77: {  	[tilespmem:s24+$0xFFFFFFD0] =	vst v37  }
0x78: {  	v37 =	vld.idx.msk [tilespmem:v38+s3+$0x0], $0xffff;
	_ =	sdelay $0x1  }
0x79: {  	v38 =	vadd.s32 s25, v2;
	_ =	sdelay $0x3  }
0x7a: {  	[tilespmem:s24+$0xFFFFFFE0] =	vst v37  }
0x7b: {  	v37 =	vld.idx.msk [tilespmem:v38+s3+$0x0], $0xffff;
	_ =	sdelay $0x1  }
0x7c: {  	v38 =	vadd.s32 s25, v3;
	s25 =	smov.u32 s26;
	_ =	sdelay $0x2  }
.Ltmp3:
0x7d: {  	(pc) =	sbr.rel @p0 .LBB2_4-.Ltmp3, $3  }
0x7e: {  	[tilespmem:s24+$0xFFFFFFF0] =	vst v37  }
0x7f: {  	v37 =	vld.idx.msk [tilespmem:v38+s3+$0x0], $0xffff;
	_ =	sdelay $0x1  }
0x80: {  	s26 =	sadd.s32 $0x1, s26;
	v38 =	vadd.s32 s25, v0  }
0x81: {  	_ =	sdelay $0x2  }
0x82: {  	[tilespmem:s24+$0x0] =	vst v37  }
0x83: {  	v37 =	vld.idx.msk [tilespmem:v38+s3+$0x0], $0xffff  }
0x84: {  	v61 =	vadd.s32 s25, v1;
	_ =	sdelay $0x2  }
0x85: {  	s1 =	sadd.s32 $0x80, s24  }
0x86: {  	[tilespmem:s1+$0xFFFFFFD0] =	vst v37  }
0x87: {  	v37 =	vld.idx.msk [tilespmem:v61+s3+$0x0], $0xffff  }
0x88: {  	v62 =	vadd.s32 s25, v2;
	_ =	sdelay $0x3  }
0x89: {  	[tilespmem:s1+$0xFFFFFFE0] =	vst v37  }
0x8a: {  	v37 =	vld.idx.msk [tilespmem:v62+s3+$0x0], $0xffff  }
0x8b: {  	v63 =	vadd.s32 s25, v3;
	_ =	sdelay $0x3  }
0x8c: {  	[tilespmem:s1+$0xFFFFFFF0] =	vst v37  }
0x8d: {  	v37 =	vld.idx.msk [tilespmem:v63+s3+$0x0], $0xffff;
	_ =	sdelay $0x4  }
0x8e: {  	[tilespmem:s1+$0x0] =	vst v37  }
0x8f: {  	[tilespmem:s14], [sflag:$0x1] =	stream.indirect.gather [hbm4b:s4+s12], $0x80, s13, s12, $0xb8;
	[tilespmem:$0x18C00] =	vst v63  }
0x90: {  	s25 =	simm.s32 $0x0;
	s24 =	simm.s32 $0x0  }
0x91: {  	[tilespmem:s16], [sflag:$0x2] =	stream.indirect.gather [hbm4b:s4+s12], $0x80, s15, s12, $0xb8;
	[tilespmem:$0x18C00] =	vst v63  }
.LBB2_6:
0x92: {  	_ =	swait.ge [sflag:s17], $0x4000;
	p0 =	seq.s32 s25, $0x0  }
0x93: {  	s0 =	simm.s32 $0x1;
	s26 =	simm.s32 $0x2;
	[sflag:s17] =	ssyncset.done $0x0  }
0x94: {  	v37 =	vmov s24;
	s28 =	sshll.u32 s25, $0x7;
	s1 =	simm.s32 @!p0 $0x3;
	[sflag:s17] =	ssyncadd.s32 $0xFFFFC000  }
0x95: {  	s31 =	simm.s32 $0x3;
	v37 =	vshrl.u32 v37, $0x3;
	v38 =	vmov s0;
	v41 =	vmov s26;
	s0 =	simm.s32 $0x4;
	_ =	swait.ge @!p0 [sflag:s1], $0x2000  }
0x96: {  	s29 =	sand.u32 $0x3FFFFF80, s28;
	v42 =	vmov s31;
	s31 =	simm.s32 $0x5;
	v43 =	vmov s0;
	v37 =	vshll.u32 v37, v5;
	[sflag:s1] =	ssyncset.done @!p0 $0x0  }
0x97: {  	s26 =	simm.s32 $0x7;
	s0 =	simm.s32 $0x6;
	v44 =	vmov s31;
	v46 =	vshrl.u32 v38, $0x3;
	v41 =	vshrl.u32 v41, $0x3;
	[sflag:s1] =	ssyncadd.s32 @!p0 $0xFFFFE000  }
0x98: {  	v42 =	vshrl.u32 v42, $0x3;
	v47 =	vmov s26;
	v45 =	vmov s0;
	v40 =	vld [tilespmem:s29+$0x9600]  }
0x99: {  	s28 =	simm.s32 $0xCA00;
	v43 =	vshrl.u32 v43, $0x3;
	v44 =	vshrl.u32 v44, $0x3;
	v46 =	vshll.u32 v46, v5;
	v39 =	vld [tilespmem:s29+$0x9610]  }
0x9a: {  	v41 =	vshll.u32 v41, v5;
	v48 =	vshrl.u32 v47, $0x3;
	v42 =	vshll.u32 v42, v5;
	v50 =	vld [tilespmem:s28+$0x180]  }
0x9b: {  	v47 =	vbroadcast v37, $0x0;
	v45 =	vshrl.u32 v45, $0x3;
	v32 =	vshll.u32 v48, v5;
	v51 =	vld [tilespmem:s28+$0xFFFFFE00]  }
0x9c: {  	v43 =	vshll.u32 v43, v5;
	v44 =	vshll.u32 v44, v5;
	v49 =	vbroadcast v32, $0x0;
	v52 =	vld [tilespmem:s28+$0xFFFFFE80]  }
0x9d: {  	v48 =	vbroadcast v46, $0x0;
	v46 =	vbroadcast v41, $0x0;
	v33 =	vshll.u32 v45, v5;
	v53 =	vld [tilespmem:s28+$0xFFFFFF00]  }
0x9e: {  	v45 =	vbroadcast v42, $0x0;
	v22 =	vbroadcast v43, $0x0;
	v35 =	vld [tilespmem:s28+$0xFFFFFF80];
	v54 =	vadd.s32 v7, v49  }
0x9f: {  	v55 =	vadd.s32 v9, v47;
	v44 =	vbroadcast v44, $0x0;
	v56 =	vld [tilespmem:s28+$0x0];
	v50 =	vmul.f32 $8.000000000e+00, v50  }
0xa0: {  	v57 =	vadd.s32 v13, v48;
	v58 =	vld [tilespmem:s28+$0x80];
	v14 =	vbroadcast v33, $0x0;
	v51 =	vmul.f32 $8.000000000e+00, v51  }
0xa1: {  	v59 =	vadd.s32 v17, v46;
	v60 =	vld [tilespmem:s28+$0x100];
	v52 =	vmul.f32 $8.000000000e+00, v52;
	v50 =	vadd.f32 v50, v40  }
0xa2: {  	v38 =	vld [tilespmem:s29+$0x9620];
	v61 =	vadd.s32 v21, v45;
	v53 =	vmul.f32 $8.000000000e+00, v53;
	v51 =	vadd.f32 v51, v40  }
0xa3: {  	v37 =	vld [tilespmem:s29+$0x9630];
	v62 =	vadd.s32 v4, v22;
	v41 =	vmul.f32 $8.000000000e+00, v35;
	v52 =	vadd.f32 v52, v40;
	[tilespmem:v54+s18+$0x0] =	vst.idx.msk $0xffff, v50  }
0xa4: {  	v1 =	vmul.f32 $8.000000000e+00, v56;
	v0 =	vadd.f32 v53, v40;
	v53 =	vadd.s32 v29, v44;
	[tilespmem:v55+s18+$0x0] =	vst.idx.msk $0xffff, v51  }
0xa5: {  	v2 =	vmul.f32 $8.000000000e+00, v58;
	v56 =	vadd.s32 v8, v14;
	v41 =	vadd.f32 v41, v40;
	[tilespmem:v57+s18+$0x0] =	vst.idx.msk $0xffff, v52;
	v54 =	vld [tilespmem:s28+$0x190]  }
0xa6: {  	s31 =	simm.s32 $0x8;
	[tilespmem:v59+s18+$0x0] =	vst.idx.msk $0xffff, v0;
	v0 =	vadd.f32 v1, v40;
	v1 =	vmul.f32 $8.000000000e+00, v60;
	v55 =	vld [tilespmem:s28+$0xFFFFFE10]  }
0xa7: {  	v32 =	vmov s31;
	v2 =	vadd.f32 v2, v40;
	[tilespmem:v61+s18+$0x0] =	vst.idx.msk $0xffff, v41;
	v33 =	vld [tilespmem:s28+$0xFFFFFE90]  }
0xa8: {  	v57 =	vshrl.u32 v32, $0x3;
	v59 =	vld [tilespmem:s28+$0xFFFFFF10];
	[tilespmem:v62+s18+$0x0] =	vst.idx.msk $0xffff, v0;
	v32 =	vadd.f32 v1, v40  }
0xa9: {  	v63 =	vld [tilespmem:s28+$0x10];
	[tilespmem:v53+s18+$0x0] =	vst.idx.msk $0xffff, v2  }
0xaa: {  	v0 =	vld [tilespmem:$0x1FE80];
	[tilespmem:v56+s18+$0x0] =	vst.idx.msk $0xffff, v32  }
0xab: {  	v1 =	vld [tilespmem:$0x1FEC0]  }
0xac: {  	v51 =	vadd.s32 v25, v49;
	v43 =	vld [tilespmem:$0x1FF00]  }
0xad: {  	v60 =	vld [tilespmem:s28+$0xFFFFFF90];
	v62 =	vadd.s32 v10, v47;
	v41 =	vmul.f32 $8.000000000e+00, v54  }
0xae: {  	v3 =	vadd.s32 v26, v22;
	v54 =	vmul.f32 $8.000000000e+00, v55;
	v33 =	vmul.f32 $8.000000000e+00, v33  }
0xaf: {  	v41 =	vadd.f32 v41, v39;
	v32 =	vmul.f32 $8.000000000e+00, v63;
	v55 =	vadd.s32 v0, v48  }
0xb0: {  	v59 =	vmul.f32 $8.000000000e+00, v59;
	v54 =	vadd.f32 v54, v39;
	v56 =	vadd.s32 v1, v46  }
0xb1: {  	v31 =	vmov v1;
	v1 =	vadd.s32 v43, v45;
	[tilespmem:v51+s18+$0x0] =	vst.idx.msk $0xffff, v41;
	v51 =	vadd.f32 v32, v39  }
0xb2: {  	v60 =	vmul.f32 $8.000000000e+00, v60;
	v50 =	vadd.f32 v33, v39;
	[tilespmem:v62+s18+$0x0] =	vst.idx.msk $0xffff, v54  }
0xb3: {  	v0 =	vld [tilespmem:s28+$0x90];
	v41 =	vadd.f32 v59, v39;
	[tilespmem:v3+s18+$0x0] =	vst.idx.msk $0xffff, v51  }
0xb4: {  	v33 =	vadd.f32 v60, v39;
	[tilespmem:v55+s18+$0x0] =	vst.idx.msk $0xffff, v50  }
0xb5: {  	[tilespmem:v56+s18+$0x0] =	vst.idx.msk $0xffff, v41  }
0xb6: {  	v58 =	vld [tilespmem:s28+$0x110];
	[tilespmem:v1+s18+$0x0] =	vst.idx.msk $0xffff, v33  }
0xb7: {  	v54 =	vadd.s32 v30, v44;
	v1 =	vld [tilespmem:$0x1FFD0]  }
0xb8: {  	v59 =	vld [tilespmem:s28+$0x1A0];
	v0 =	vmul.f32 $8.000000000e+00, v0;
	_ =	sdelay $0x1  }
0xb9: {  	v62 =	vld [tilespmem:s28+$0xFFFFFE20];
	v55 =	vadd.s32 v34, v14;
	v0 =	vadd.f32 v0, v39  }
0xba: {  	v32 =	vmul.f32 $8.000000000e+00, v58;
	v63 =	vld [tilespmem:s28+$0xFFFFFEA0]  }
0xbb: {  	v33 =	vld [tilespmem:$0x1FE50];
	[tilespmem:v54+s18+$0x0] =	vst.idx.msk $0xffff, v0;
	v51 =	vadd.s32 v1, v49  }
0xbc: {  	v3 =	vadd.f32 v32, v39;
	v42 =	vmul.f32 $8.000000000e+00, v59;
	v2 =	vld [tilespmem:$0x1FE90]  }
0xbd: {  	v58 =	vld [tilespmem:s28+$0xFFFFFF20]  }
0xbe: {  	s0 =	simm.s32 $0x9;
	v50 =	vld [tilespmem:s28+$0xFFFFFFA0];
	v0 =	vadd.f32 v42, v38;
	[tilespmem:v55+s18+$0x0] =	vst.idx.msk $0xffff, v3  }
0xbf: {  	s26 =	simm.s32 $0xA;
	v52 =	vmov s0;
	v42 =	vld [tilespmem:$0x1FF10]  }
0xc0: {  	v61 =	vmov s26;
	v56 =	vshrl.u32 v52, $0x3;
	v27 =	vmovc v33;
	v52 =	vadd.s32 v33, v47;
	v33 =	vld [tilespmem:$0x1FED0];
	[tilespmem:v51+s18+$0x0] =	vst.idx.msk $0xffff, v0  }
0xc1: {  	v32 =	vmul.f32 $8.000000000e+00, v62;
	v54 =	vshrl.u32 v61, $0x3;
	v61 =	vadd.s32 v2, v48;
	v51 =	vld [tilespmem:$0x1FF40]  }
0xc2: {  	v3 =	vmul.f32 $8.000000000e+00, v63;
	v18 =	vmov v1;
	v1 =	vld [tilespmem:s28+$0x20]  }
0xc3: {  	v59 =	vadd.f32 v32, v38  }
0xc4: {  	v10 =	vmovc v25;
	v25 =	vmov v4;
	v4 =	vadd.s32 v42, v45;
	v0 =	vadd.f32 v3, v38  }
0xc5: {  	v62 =	vld [tilespmem:s28+$0xA0];
	v55 =	vadd.s32 v33, v46;
	v3 =	vmul.f32 $8.000000000e+00, v50;
	[tilespmem:v52+s18+$0x0] =	vst.idx.msk $0xffff, v59  }
0xc6: {  	v58 =	vmul.f32 $8.000000000e+00, v58;
	v11 =	vmov v42;
	v42 =	vld [tilespmem:$0x1FF70];
	[tilespmem:v61+s18+$0x0] =	vst.idx.msk $0xffff, v0;
	v50 =	vadd.s32 v51, v22  }
0xc7: {  	v1 =	vmul.f32 $8.000000000e+00, v1;
	v3 =	vadd.f32 v3, v38;
	v52 =	vld [tilespmem:$0x1FFA0]  }
0xc8: {  	v32 =	vmov v51;
	v51 =	vadd.f32 v58, v38  }
0xc9: {  	s31 =	simm.s32 $0xB;
	v1 =	vadd.f32 v1, v38;
	[tilespmem:v4+s18+$0x0] =	vst.idx.msk $0xffff, v3  }
0xca: {  	s26 =	simm.s32 $0xD;
	v53 =	vmov s31;
	v41 =	vshll.u32 v57, v5;
	v63 =	vld [tilespmem:s28+$0x120];
	[tilespmem:v55+s18+$0x0] =	vst.idx.msk $0xffff, v51  }
0xcb: {  	v35 =	vmovc v13;
	v57 =	vmov s26;
	v58 =	vmul.f32 $8.000000000e+00, v62;
	v13 =	vmovc v42;
	v59 =	vadd.s32 v42, v44;
	v42 =	vld [tilespmem:s28+$0x1B0];
	[tilespmem:v50+s18+$0x0] =	vst.idx.msk $0xffff, v1  }
0xcc: {  	v17 =	vmovc v52;
	v61 =	vadd.s32 v52, v14;
	v52 =	vshrl.u32 v53, $0x3;
	v53 =	vshrl.u32 v57, $0x3;
	v57 =	vld [tilespmem:$0x1FE60]  }
0xcd: {  	v0 =	vld [tilespmem:s28+$0xFFFFFE30]  }
0xce: {  	s0 =	simm.s32 $0xC;
	v55 =	vld [tilespmem:s28+$0xFFFFFEB0];
	v4 =	vadd.f32 v58, v38  }
0xcf: {  	s31 =	simm.s32 $0xE;
	v60 =	vmov s0;
	v3 =	vld [tilespmem:s28+$0xFFFFFF30]  }
0xd0: {  	v43 =	vmov s31;
	v49 =	vadd.s32 v36, v49;
	v62 =	vmul.f32 $8.000000000e+00, v63;
	v1 =	vld [tilespmem:s28+$0xFFFFFFB0];
	[tilespmem:v59+s18+$0x0] =	vst.idx.msk $0xffff, v4  }
0xd1: {  	v51 =	vshrl.u32 v60, $0x3;
	v42 =	vmul.f32 $8.000000000e+00, v42;
	v63 =	vld [tilespmem:$0x1FEE0];
	v60 =	vadd.s32 v57, v47  }
0xd2: {  	v0 =	vmul.f32 $8.000000000e+00, v0;
	v50 =	vshrl.u32 v43, $0x3;
	v43 =	vadd.f32 v62, v38;
	v62 =	vld [tilespmem:$0x1FEA0]  }
0xd3: {  	v4 =	vld [tilespmem:s28+$0x30];
	v42 =	vadd.f32 v42, v37  }
0xd4: {  	v0 =	vadd.f32 v0, v37;
	v59 =	vshll.u32 v54, v5;
	v54 =	vld [tilespmem:s28+$0xB0];
	[tilespmem:v61+s18+$0x0] =	vst.idx.msk $0xffff, v43  }
0xd5: {  	v47 =	vld [tilespmem:$0x1FF20];
	[tilespmem:v49+s18+$0x0] =	vst.idx.msk $0xffff, v42  }
0xd6: {  	v12 =	vmov v57;
	v20 =	vmov v63;
	v57 =	vadd.s32 v63, v46;
	v63 =	vld [tilespmem:$0x1FF50];
	[tilespmem:v60+s18+$0x0] =	vst.idx.msk $0xffff, v0  }
0xd7: {  	v48 =	vadd.s32 v62, v48;
	v0 =	vld [tilespmem:$0x1FF80]  }
0xd8: {  	v15 =	vmovc v2;
	v19 =	vmov v33;
	v55 =	vmul.f32 $8.000000000e+00, v55;
	v1 =	vmul.f32 $8.000000000e+00, v1  }
0xd9: {  	v33 =	vmovc v8;
	v58 =	vshll.u32 v56, v5;
	v3 =	vmul.f32 $8.000000000e+00, v3;
	v43 =	vadd.s32 v6, v14;
	v14 =	vmovc v7  }
0xda: {  	v49 =	vadd.f32 v55, v37;
	v55 =	vmul.f32 $8.000000000e+00, v4;
	v16 =	vmovc v62;
	v56 =	vadd.f32 v1, v37;
	v24 =	vmovc v47  }
0xdb: {  	v47 =	vadd.s32 v47, v45;
	v60 =	vadd.f32 v3, v37;
	v28 =	vmovc v63;
	v46 =	vadd.s32 v63, v22  }
0xdc: {  	s30 =	simm.s32 $0xF;
	s29 =	simm.s32 $0x10;
	s26 =	sshll.u32 s25, $0x1;
	v45 =	vld [tilespmem:s28+$0x130];
	[tilespmem:v48+s18+$0x0] =	vst.idx.msk $0xffff, v49;
	v22 =	vmovc v6;
	v23 =	vmov v0;
	v42 =	vadd.s32 v0, v44;
	v44 =	vmul.f32 $8.000000000e+00, v54  }
.LBB2_7:
0xdd: {  	v0 =	vmov s30;
	s28 =	sadd.s32 $0x400, s28;
	v2 =	vld [tilespmem:$0x1FEB0]  }
0xde: {  	v4 =	vshll.u32 v52, v5;
	v63 =	vld [tilespmem:s28+$0x180];
	v0 =	vshrl.u32 v0, $0x3  }
0xdf: {  	[tilespmem:v57+s18+$0x0] =	vst.idx.msk $0xffff, v60;
	v1 =	vadd.f32 v55, v37;
	v54 =	vld [tilespmem:s28+$0xFFFFFE00];
	v0 =	vshll.u32 v0, v5  }
0xe0: {  	[tilespmem:v47+s18+$0x0] =	vst.idx.msk $0xffff, v56;
	v44 =	vadd.f32 v44, v37;
	v56 =	vshll.u32 v51, v5;
	v49 =	vbroadcast v0, $0x0;
	v0 =	vld [tilespmem:s28+$0xFFFFFF00]  }
0xe1: {  	v57 =	vshll.u32 v53, v5;
	[tilespmem:v46+s18+$0x0] =	vst.idx.msk $0xffff, v1;
	v3 =	vmul.f32 $8.000000000e+00, v45;
	v45 =	vbroadcast v41, $0x0  }
0xe2: {  	v47 =	vbroadcast v59, $0x0;
	v46 =	vbroadcast v4, $0x0;
	v53 =	vld [tilespmem:s28+$0x0];
	v4 =	vadd.s32 v14, v49  }
0xe3: {  	v55 =	vadd.f32 v3, v37;
	v3 =	vld [tilespmem:s28+$0xFFFFFE80];
	v41 =	vadd.s32 v9, v45;
	v60 =	vmul.f32 $8.000000000e+00, v63  }
0xe4: {  	[tilespmem:v42+s18+$0x0] =	vst.idx.msk $0xffff, v44;
	v44 =	vbroadcast v56, $0x0;
	v61 =	vmul.f32 $8.000000000e+00, v54;
	v63 =	vadd.s32 v2, v47  }
0xe5: {  	v48 =	vbroadcast v58, $0x0;
	v51 =	vadd.f32 v60, v40;
	v0 =	vmul.f32 $8.000000000e+00, v0  }
0xe6: {  	v1 =	vld [tilespmem:s28+$0xFFFFFF80];
	[tilespmem:v43+s18+$0x0] =	vst.idx.msk $0xffff, v55;
	v52 =	vadd.f32 v61, v40;
	v61 =	vadd.s32 v25, v44  }
0xe7: {  	v62 =	vld [tilespmem:s28+$0x80];
	v54 =	vadd.s32 v35, v48;
	[tilespmem:v4+s18+$0x0] =	vst.idx.msk $0xffff, v51;
	v0 =	vadd.f32 v0, v40;
	v4 =	vmul.f32 $8.000000000e+00, v53  }
0xe8: {  	v56 =	vld [tilespmem:s28+$0x100];
	v3 =	vmul.f32 $8.000000000e+00, v3;
	[tilespmem:v41+s18+$0x0] =	vst.idx.msk $0xffff, v52  }
0xe9: {  	v50 =	vshll.u32 v50, v5;
	v51 =	vld [tilespmem:s28+$0x190];
	[tilespmem:v63+s18+$0x0] =	vst.idx.msk $0xffff, v0;
	v63 =	vadd.f32 v4, v40  }
0xea: {  	v42 =	vbroadcast v57, $0x0;
	v60 =	vadd.s32 v21, v46;
	v52 =	vld [tilespmem:s28+$0xFFFFFE10];
	v3 =	vadd.f32 v3, v40  }
0xeb: {  	v43 =	vbroadcast v50, $0x0;
	v1 =	vmul.f32 $8.000000000e+00, v1;
	[tilespmem:v61+s18+$0x0] =	vst.idx.msk $0xffff, v63;
	v61 =	vld [tilespmem:$0x1FFF0]  }
0xec: {  	v41 =	vadd.s32 v29, v42;
	v63 =	vld [tilespmem:$0x1FF00];
	[tilespmem:v54+s18+$0x0] =	vst.idx.msk $0xffff, v3;
	v3 =	vmul.f32 $8.000000000e+00, v62;
	v62 =	vmov s29  }
0xed: {  	v1 =	vadd.f32 v1, v40;
	v53 =	vadd.s32 v33, v43;
	v50 =	vshrl.u32 v62, $0x3;
	v62 =	vld [tilespmem:$0x1FE80]  }
0xee: {  	v4 =	vmul.f32 $8.000000000e+00, v56;
	v55 =	vld [tilespmem:s28+$0xFFFFFE90]  }
0xef: {  	s31 =	sadd.s32 $0x2, s29;
	[tilespmem:v60+s18+$0x0] =	vst.idx.msk $0xffff, v1;
	v54 =	vld [tilespmem:s28+$0xFFFFFF10];
	v60 =	vadd.f32 v3, v40  }
0xf0: {  	v57 =	vmov s31;
	v56 =	vld [tilespmem:s28+$0xFFFFFF90];
	v0 =	vadd.f32 v4, v40;
	v4 =	vadd.s32 v10, v49  }
0xf1: {  	v6 =	vadd.s32 v32, v44;
	v59 =	vld [tilespmem:s28+$0x10];
	v1 =	vmul.f32 $8.000000000e+00, v51;
	v58 =	vadd.s32 v61, v45;
	[tilespmem:v41+s18+$0x0] =	vst.idx.msk $0xffff, v60  }
0xf2: {  	v2 =	vadd.s32 v11, v46;
	[tilespmem:v53+s18+$0x0] =	vst.idx.msk $0xffff, v0;
	v41 =	vmul.f32 $8.000000000e+00, v52;
	v60 =	vld [tilespmem:s28+$0x90];
	v52 =	vadd.s32 v62, v48  }
0xf3: {  	v53 =	vadd.s32 v31, v47;
	v1 =	vadd.f32 v1, v39;
	v0 =	vmul.f32 $8.000000000e+00, v55;
	v55 =	vld [tilespmem:s28+$0x110]  }
0xf4: {  	v61 =	vadd.s32 v63, v46;
	v54 =	vmul.f32 $8.000000000e+00, v54;
	v41 =	vadd.f32 v41, v39  }
0xf5: {  	v56 =	vmul.f32 $8.000000000e+00, v56;
	v62 =	vadd.s32 v26, v44;
	[tilespmem:v4+s18+$0x0] =	vst.idx.msk $0xffff, v1;
	v0 =	vadd.f32 v0, v39  }
0xf6: {  	v4 =	vmul.f32 $8.000000000e+00, v59;
	[tilespmem:v58+s18+$0x0] =	vst.idx.msk $0xffff, v41;
	v41 =	vadd.f32 v54, v39;
	v54 =	vadd.s32 v30, v42;
	v58 =	vld [tilespmem:s28+$0x1A0]  }
0xf7: {  	v59 =	vld [tilespmem:s28+$0xFFFFFE20];
	[tilespmem:v52+s18+$0x0] =	vst.idx.msk $0xffff, v0;
	v0 =	vadd.f32 v56, v39;
	v52 =	vmul.f32 $8.000000000e+00, v60;
	v56 =	vadd.s32 v34, v43  }
0xf8: {  	s1 =	sadd.s32 $0x1, s29;
	s0 =	sadd.s32 $0x3, s29;
	v7 =	vadd.s32 v17, v43;
	v1 =	vadd.f32 v4, v39;
	[tilespmem:v53+s18+$0x0] =	vst.idx.msk $0xffff, v41;
	v4 =	vmul.f32 $8.000000000e+00, v55;
	v63 =	vld [tilespmem:s28+$0xFFFFFEA0]  }
0xf9: {  	v51 =	vmov s0;
	v3 =	vmov s1;
	v53 =	vld [tilespmem:s28+$0xFFFFFF20];
	[tilespmem:v61+s18+$0x0] =	vst.idx.msk $0xffff, v0;
	v0 =	vadd.f32 v52, v39  }
0xfa: {  	s31 =	sadd.s32 $0x4, s29;
	v3 =	vshrl.u32 v3, $0x3;
	[tilespmem:v62+s18+$0x0] =	vst.idx.msk $0xffff, v1;
	v1 =	vadd.f32 v4, v39;
	v4 =	vadd.s32 v18, v49;
	v52 =	vld [tilespmem:s28+$0xFFFFFFA0]  }
0xfb: {  	v60 =	vmov s31;
	v62 =	vld [tilespmem:s28+$0x20];
	v61 =	vadd.s32 v27, v45;
	[tilespmem:v54+s18+$0x0] =	vst.idx.msk $0xffff, v0;
	v0 =	vmul.f32 $8.000000000e+00, v58  }
0xfc: {  	v54 =	vshrl.u32 v57, $0x3;
	v57 =	vmul.f32 $8.000000000e+00, v59;
	v58 =	vadd.s32 v15, v48;
	v59 =	vld [tilespmem:s28+$0xA0];
	[tilespmem:v56+s18+$0x0] =	vst.idx.msk $0xffff, v1  }
0xfd: {  	v56 =	vadd.s32 v19, v47;
	v1 =	vmul.f32 $8.000000000e+00, v63;
	v63 =	vld [tilespmem:s28+$0x120];
	v0 =	vadd.f32 v0, v38  }
0xfe: {  	s0 =	sadd.s32 $0x5, s29;
	v41 =	vshll.u32 v50, v5;
	v57 =	vadd.f32 v57, v38;
	v53 =	vmul.f32 $8.000000000e+00, v53  }
0xff: {  	v50 =	vmov s0;
	v1 =	vadd.f32 v1, v38;
	v52 =	vmul.f32 $8.000000000e+00, v52;
	[tilespmem:v4+s18+$0x0] =	vst.idx.msk $0xffff, v0  }
0x100: {  	[tilespmem:v61+s18+$0x0] =	vst.idx.msk $0xffff, v57;
	v0 =	vadd.f32 v53, v38;
	v4 =	vmul.f32 $8.000000000e+00, v62;
	v57 =	vadd.s32 v13, v42;
	v61 =	vld [tilespmem:s28+$0x1B0]  }
0x101: {  	s31 =	sadd.s32 $0x6, s29;
	v43 =	vadd.s32 v22, v43;
	v62 =	vld [tilespmem:s28+$0xFFFFFE30];
	[tilespmem:v58+s18+$0x0] =	vst.idx.msk $0xffff, v1;
	v1 =	vadd.f32 v52, v38;
	v58 =	vmul.f32 $8.000000000e+00, v59  }
0x102: {  	v55 =	vmov s31;
	[tilespmem:v56+s18+$0x0] =	vst.idx.msk $0xffff, v0;
	v0 =	vadd.f32 v4, v38;
	v8 =	vld [tilespmem:s28+$0xFFFFFEB0];
	v4 =	vmul.f32 $8.000000000e+00, v63  }
0x103: {  	v48 =	vadd.s32 v16, v48;
	v52 =	vshrl.u32 v51, $0x3;
	v56 =	vld [tilespmem:s28+$0xFFFFFF30];
	[tilespmem:v2+s18+$0x0] =	vst.idx.msk $0xffff, v1;
	v63 =	vadd.f32 v58, v38  }
0x104: {  	v51 =	vshrl.u32 v60, $0x3;
	[tilespmem:v6+s18+$0x0] =	vst.idx.msk $0xffff, v0;
	v2 =	vld [tilespmem:s28+$0xFFFFFFB0];
	v60 =	vadd.f32 v4, v38;
	v4 =	vadd.s32 v36, v49  }
0x105: {  	v58 =	vshll.u32 v3, v5;
	v3 =	vadd.s32 v12, v45;
	v6 =	vld [tilespmem:s28+$0x30];
	[tilespmem:v57+s18+$0x0] =	vst.idx.msk $0xffff, v63;
	v61 =	vmul.f32 $8.000000000e+00, v61  }
0x106: {  	p1 =	slt.u32 s29, $0x78;
	v53 =	vshrl.u32 v50, $0x3;
	v59 =	vshll.u32 v54, v5;
	v62 =	vmul.f32 $8.000000000e+00, v62;
	v54 =	vld [tilespmem:s28+$0xB0]  }
.Ltmp4:
0x107: {  	v42 =	vadd.s32 v23, v42;
	v63 =	vmul.f32 $8.000000000e+00, v8;
	v1 =	vadd.f32 v61, v37;
	(pc) =	sbr.rel @p1 .LBB2_7-.Ltmp4, $4  }
0x108: {  	v57 =	vadd.s32 v20, v47;
	[tilespmem:v7+s18+$0x0] =	vst.idx.msk $0xffff, v60;
	v7 =	vadd.f32 v62, v37;
	v8 =	vmul.f32 $8.000000000e+00, v56  }
0x109: {  	v47 =	vadd.s32 v24, v46;
	v0 =	vadd.f32 v63, v37;
	v2 =	vmul.f32 $8.000000000e+00, v2;
	[tilespmem:v4+s18+$0x0] =	vst.idx.msk $0xffff, v1  }
0x10a: {  	v50 =	vshrl.u32 v55, $0x3;
	v46 =	vadd.s32 v28, v44;
	[tilespmem:v3+s18+$0x0] =	vst.idx.msk $0xffff, v7;
	v60 =	vadd.f32 v8, v37  }
0x10b: {  	s30 =	sadd.s32 $0x7, s29;
	s29 =	sadd.s32 $0x8, s29;
	v45 =	vld [tilespmem:s28+$0x130];
	v55 =	vmul.f32 $8.000000000e+00, v6;
	[tilespmem:v48+s18+$0x0] =	vst.idx.msk $0xffff, v0;
	v56 =	vadd.f32 v2, v37;
	v44 =	vmul.f32 $8.000000000e+00, v54  }
0x10c: {  	s28 =	sadd.s32 $0x400, s28  }
0x10d: {  	v0 =	vmov s30;
	v1 =	vld [tilespmem:s28+$0x180]  }
0x10e: {  	v2 =	vshll.u32 v52, v5;
	v0 =	vshrl.u32 v0, $0x3;
	v3 =	vld [tilespmem:s28+$0xFFFFFE00]  }
0x10f: {  	v52 =	vbroadcast v41, $0x0;
	v8 =	vshll.u32 v50, v5;
	v4 =	vld [tilespmem:s28+$0xFFFFFE80];
	v0 =	vshll.u32 v0, v5  }
0x110: {  	v49 =	vbroadcast v8, $0x0;
	v8 =	vld [tilespmem:$0x1FEB0];
	v54 =	vbroadcast v0, $0x0  }
0x111: {  	v6 =	vshll.u32 v51, v5;
	v7 =	vshll.u32 v53, v5;
	v53 =	vbroadcast v58, $0x0;
	v0 =	vld [tilespmem:s28+$0xFFFFFF00]  }
0x112: {  	v51 =	vbroadcast v59, $0x0;
	v58 =	vld [tilespmem:s28+$0xFFFFFF80];
	v50 =	vbroadcast v2, $0x0;
	v2 =	vadd.s32 v14, v54  }
0x113: {  	v48 =	vbroadcast v6, $0x0;
	v59 =	vld [tilespmem:s28+$0x0];
	v6 =	vadd.s32 v9, v52;
	v1 =	vmul.f32 $8.000000000e+00, v1  }
0x114: {  	v41 =	vbroadcast v7, $0x0;
	v61 =	vld [tilespmem:s28+$0x80];
	v7 =	vadd.s32 v35, v53;
	v3 =	vmul.f32 $8.000000000e+00, v3  }
0x115: {  	v62 =	vld [tilespmem:s28+$0x100];
	v4 =	vmul.f32 $8.000000000e+00, v4;
	v8 =	vadd.s32 v8, v51;
	v1 =	vadd.f32 v1, v40  }
0x116: {  	v63 =	vadd.s32 v21, v50;
	v3 =	vadd.f32 v3, v40;
	v0 =	vmul.f32 $8.000000000e+00, v0  }
0x117: {  	v35 =	vmul.f32 $8.000000000e+00, v58;
	[tilespmem:v2+s18+$0x0] =	vst.idx.msk $0xffff, v1;
	v1 =	vadd.f32 v4, v40;
	v4 =	vadd.s32 v25, v48  }
0x118: {  	[tilespmem:v6+s18+$0x0] =	vst.idx.msk $0xffff, v3;
	v0 =	vadd.f32 v0, v40;
	v3 =	vmul.f32 $8.000000000e+00, v59;
	v6 =	vadd.s32 v29, v41  }
0x119: {  	v2 =	vadd.f32 v35, v40;
	v59 =	vadd.s32 v33, v49;
	v58 =	vld [tilespmem:s28+$0x190];
	[tilespmem:v7+s18+$0x0] =	vst.idx.msk $0xffff, v1;
	v7 =	vmul.f32 $8.000000000e+00, v61  }
0x11a: {  	v1 =	vld [tilespmem:s28+$0xFFFFFE10];
	[tilespmem:v8+s18+$0x0] =	vst.idx.msk $0xffff, v0;
	v3 =	vadd.f32 v3, v40;
	v8 =	vmul.f32 $8.000000000e+00, v62  }
0x11b: {  	[tilespmem:v63+s18+$0x0] =	vst.idx.msk $0xffff, v2;
	v0 =	vld [tilespmem:s28+$0xFFFFFE90];
	v7 =	vadd.f32 v7, v40  }
0x11c: {  	v2 =	vld [tilespmem:s28+$0xFFFFFF10];
	[tilespmem:v4+s18+$0x0] =	vst.idx.msk $0xffff, v3;
	v3 =	vadd.f32 v8, v40  }
0x11d: {  	v29 =	vld [tilespmem:$0x1FFF0];
	[tilespmem:v6+s18+$0x0] =	vst.idx.msk $0xffff, v7  }
0x11e: {  	v14 =	vld [tilespmem:$0x1FE80];
	[tilespmem:v59+s18+$0x0] =	vst.idx.msk $0xffff, v3  }
0x11f: {  	v4 =	vadd.s32 v10, v54;
	v40 =	vld [tilespmem:s28+$0x10];
	[tilespmem:v57+s18+$0x0] =	vst.idx.msk $0xffff, v60  }
0x120: {  	v6 =	vmul.f32 $8.000000000e+00, v58;
	v9 =	vld [tilespmem:$0x1FF00]  }
0x121: {  	v61 =	vld [tilespmem:s28+$0xFFFFFF90];
	v3 =	vadd.s32 v31, v51  }
0x122: {  	v59 =	vld [tilespmem:s28+$0x110];
	v6 =	vadd.f32 v6, v39;
	v2 =	vmul.f32 $8.000000000e+00, v2;
	v8 =	vadd.s32 v29, v52  }
0x123: {  	v1 =	vmul.f32 $8.000000000e+00, v1;
	v58 =	vld [tilespmem:s28+$0x90];
	v7 =	vadd.s32 v14, v53  }
0x124: {  	v0 =	vmul.f32 $8.000000000e+00, v0;
	[tilespmem:v4+s18+$0x0] =	vst.idx.msk $0xffff, v6;
	v6 =	vadd.s32 v26, v48;
	v35 =	vadd.f32 v2, v39  }
0x125: {  	v33 =	vmovc v10;
	v10 =	vmovc v34;
	v1 =	vadd.f32 v1, v39;
	v2 =	vmul.f32 $8.000000000e+00, v40;
	v57 =	vadd.s32 v9, v50  }
0x126: {  	v34 =	vadd.s32 v34, v49;
	v0 =	vadd.f32 v0, v39;
	v4 =	vmul.f32 $8.000000000e+00, v61;
	[tilespmem:v3+s18+$0x0] =	vst.idx.msk $0xffff, v35  }
0x127: {  	v63 =	vld [tilespmem:s28+$0x1A0];
	v2 =	vadd.f32 v2, v39;
	v3 =	vmul.f32 $8.000000000e+00, v59;
	[tilespmem:v8+s18+$0x0] =	vst.idx.msk $0xffff, v1;
	v8 =	vadd.s32 v30, v41  }
0x128: {  	v4 =	vadd.f32 v4, v39;
	[tilespmem:v7+s18+$0x0] =	vst.idx.msk $0xffff, v0;
	v0 =	vld [tilespmem:s28+$0xFFFFFE20];
	v7 =	vmul.f32 $8.000000000e+00, v58  }
0x129: {  	[tilespmem:v6+s18+$0x0] =	vst.idx.msk $0xffff, v2;
	v3 =	vadd.f32 v3, v39;
	v35 =	vld [tilespmem:s28+$0xFFFFFEA0]  }
0x12a: {  	[tilespmem:v57+s18+$0x0] =	vst.idx.msk $0xffff, v4;
	v4 =	vld [tilespmem:s28+$0xFFFFFF20];
	v7 =	vadd.f32 v7, v39  }
0x12b: {  	v6 =	vadd.s32 v18, v54;
	[tilespmem:v34+s18+$0x0] =	vst.idx.msk $0xffff, v3;
	v2 =	vld [tilespmem:s28+$0xFFFFFFA0]  }
0x12c: {  	v3 =	vadd.s32 v15, v53;
	v39 =	vmul.f32 $8.000000000e+00, v63;
	[tilespmem:v8+s18+$0x0] =	vst.idx.msk $0xffff, v7;
	v7 =	vadd.s32 v27, v52;
	v8 =	vld [tilespmem:s28+$0x20]  }
0x12d: {  	v34 =	vadd.s32 v19, v51;
	v63 =	vadd.f32 v55, v37;
	v0 =	vmul.f32 $8.000000000e+00, v0;
	v55 =	vld [tilespmem:s28+$0xA0]  }
0x12e: {  	[tilespmem:v47+s18+$0x0] =	vst.idx.msk $0xffff, v56;
	v58 =	vadd.s32 v11, v50;
	v39 =	vadd.f32 v39, v38;
	v1 =	vmul.f32 $8.000000000e+00, v35;
	v35 =	vld [tilespmem:s28+$0x120]  }
0x12f: {  	v59 =	vmovc v27;
	[tilespmem:v46+s18+$0x0] =	vst.idx.msk $0xffff, v63;
	v27 =	vmov v32;
	v4 =	vmul.f32 $8.000000000e+00, v4;
	v0 =	vadd.f32 v0, v38  }
0x130: {  	[tilespmem:v6+s18+$0x0] =	vst.idx.msk $0xffff, v39;
	v6 =	vadd.s32 v32, v48;
	v2 =	vmul.f32 $8.000000000e+00, v2;
	v1 =	vadd.f32 v1, v38  }
0x131: {  	v63 =	vadd.f32 v4, v38;
	[tilespmem:v7+s18+$0x0] =	vst.idx.msk $0xffff, v0;
	v4 =	vmul.f32 $8.000000000e+00, v8;
	v7 =	vadd.s32 v13, v41;
	v8 =	vld [tilespmem:s28+$0x1B0]  }
0x132: {  	v39 =	vadd.s32 v17, v49;
	v2 =	vadd.f32 v2, v38;
	[tilespmem:v3+s18+$0x0] =	vst.idx.msk $0xffff, v1;
	v32 =	vld [tilespmem:s28+$0xFFFFFE30];
	v3 =	vmul.f32 $8.000000000e+00, v55  }
0x133: {  	[tilespmem:v34+s18+$0x0] =	vst.idx.msk $0xffff, v63;
	v55 =	vld [tilespmem:s28+$0xFFFFFEB0];
	v4 =	vadd.f32 v4, v38;
	v56 =	vmul.f32 $8.000000000e+00, v35  }
0x134: {  	v47 =	vld [tilespmem:s28+$0xFFFFFF30];
	[tilespmem:v58+s18+$0x0] =	vst.idx.msk $0xffff, v2;
	v57 =	vadd.f32 v3, v38  }
0x135: {  	v3 =	vmul.f32 $8.000000000e+00, v45;
	v40 =	vld [tilespmem:s28+$0xFFFFFFB0];
	[tilespmem:v6+s18+$0x0] =	vst.idx.msk $0xffff, v4;
	v4 =	vadd.f32 v56, v38;
	v6 =	vadd.s32 v36, v54  }
0x136: {  	v63 =	vadd.s32 v12, v52;
	v58 =	vadd.f32 v44, v37;
	v34 =	vld [tilespmem:s28+$0x30];
	[tilespmem:v7+s18+$0x0] =	vst.idx.msk $0xffff, v57;
	v35 =	vmul.f32 $8.000000000e+00, v8  }
0x137: {  	v3 =	vadd.f32 v3, v37;
	v7 =	vadd.s32 v16, v53;
	v1 =	vmul.f32 $8.000000000e+00, v32;
	v8 =	vld [tilespmem:s28+$0xB0];
	[tilespmem:v39+s18+$0x0] =	vst.idx.msk $0xffff, v4  }
0x138: {  	[tilespmem:v42+s18+$0x0] =	vst.idx.msk $0xffff, v58;
	v4 =	vadd.s32 v20, v51;
	v0 =	vmul.f32 $8.000000000e+00, v55;
	v46 =	vld [tilespmem:s28+$0x130];
	v2 =	vadd.f32 v35, v37  }
0x139: {  	v51 =	vadd.s32 v24, v50;
	[tilespmem:v43+s18+$0x0] =	vst.idx.msk $0xffff, v3;
	v3 =	vmul.f32 $8.000000000e+00, v47;
	v1 =	vadd.f32 v1, v37  }
0x13a: {  	v52 =	vadd.s32 v28, v48;
	v40 =	vmul.f32 $8.000000000e+00, v40;
	v0 =	vadd.f32 v0, v37;
	[tilespmem:v6+s18+$0x0] =	vst.idx.msk $0xffff, v2  }
0x13b: {  	v53 =	vadd.f32 v3, v37;
	v3 =	vadd.s32 v23, v41;
	[tilespmem:v63+s18+$0x0] =	vst.idx.msk $0xffff, v1;
	v54 =	vmul.f32 $8.000000000e+00, v34  }
0x13c: {  	v55 =	vadd.f32 v40, v37;
	[tilespmem:v7+s18+$0x0] =	vst.idx.msk $0xffff, v0;
	v6 =	vmul.f32 $8.000000000e+00, v8;
	v7 =	vadd.s32 v22, v49  }
0x13d: {  	[tilespmem:v4+s18+$0x0] =	vst.idx.msk $0xffff, v53;
	v56 =	vadd.f32 v54, v37;
	v57 =	vmul.f32 $8.000000000e+00, v46  }
0x13e: {  	s1 =	sshll.u32 s25, $0x13;
	[tilespmem:v51+s18+$0x0] =	vst.idx.msk $0xffff, v55;
	v58 =	vadd.f32 v6, v37  }
0x13f: {  	s1 =	sor.u32 s8, s1;
	[tilespmem:v52+s18+$0x0] =	vst.idx.msk $0xffff, v56;
	v63 =	vadd.f32 v57, v37  }
0x140: {  	s1 =	sshrl.u32 s1, $0x3;
	[tilespmem:v3+s18+$0x0] =	vst.idx.msk $0xffff, v58  }
0x141: {  	s0 =	simm.s32 $0x14800;
	s29 =	sadd.s32 s2, s1;
	[tilespmem:v7+s18+$0x0] =	vst.idx.msk $0xffff, v63  }
0x142: {  	[hbm4b:s29+s3] =	stream.linear.scatter [tilespmem:s0], [sflag:$0x3], $0x80, $0x38;
	[tilespmem:$0x18C00] =	vst v63  }
0x143: {  	s28 =	sadd.s32 $0x10, s29;
	s0 =	simm.s32 $0x14888  }
0x144: {  	[hbm4b:s28+s3] =	stream.linear.scatter [tilespmem:s0], [sflag:$0x3], $0x80, $0x38;
	[tilespmem:$0x18C00] =	vst v63  }
0x145: {  	s0 =	simm.s32 $0x14910;
	s28 =	sadd.s32 $0x20, s29  }
0x146: {  	[hbm4b:s28+s3] =	stream.linear.scatter [tilespmem:s0], [sflag:$0x3], $0x80, $0x38;
	[tilespmem:$0x18C00] =	vst v63  }
0x147: {  	s0 =	simm.s32 $0x14998;
	s28 =	sadd.s32 $0x30, s29  }
0x148: {  	[hbm4b:s28+s3] =	stream.linear.scatter [tilespmem:s0], [sflag:$0x3], $0x80, $0x38;
	[tilespmem:$0x18C00] =	vst v63  }
0x149: {  	s0 =	simm.s32 $0x14A20;
	s28 =	sadd.s32 $0x40, s29  }
0x14a: {  	[hbm4b:s28+s3] =	stream.linear.scatter [tilespmem:s0], [sflag:$0x3], $0x80, $0x38;
	[tilespmem:$0x18C00] =	vst v63  }
0x14b: {  	s30 =	simm.s32 $0x2200;
	v62 =	vmov v31;
	s0 =	simm.s32 $0x14AA8;
	s28 =	sadd.s32 $0x50, s29  }
0x14c: {  	[hbm4b:s28+s3] =	stream.linear.scatter [tilespmem:s0], [sflag:$0x3], $0x80, $0x38;
	[tilespmem:$0x18C00] =	vst v63  }
0x14d: {  	s31 =	simm.s32 $0x14BB8;
	v21 =	vmov v23;
	v60 =	vmov v26;
	v31 =	vmov v16;
	s0 =	simm.s32 $0x14B30;
	s28 =	sadd.s32 $0x60, s29  }
0x14e: {  	v61 =	vmovc v30;
	v36 =	vmovc v12;
	v12 =	vmov v14;
	v14 =	vmov v62;
	v62 =	vmov v21;
	[hbm4b:s28+s3] =	stream.linear.scatter [tilespmem:s0], [sflag:$0x3], $0x80, $0x38;
	[tilespmem:$0x18C00] =	vst v63  }
0x14f: {  	s1 =	sadd.s32 $0x70, s29;
	v16 =	vmovc v13;
	v32 =	vmovc v11;
	v23 =	vmov v59;
	v22 =	vmov v9;
	v63 =	vmov v17;
	s29 =	sadd.s32 $0x1000, s29;
	s28 =	simm.s32 $0x440  }
.LBB2_9:
0x150: {  	[hbm4b:s1+s3] =	stream.linear.scatter [tilespmem:s31], [sflag:$0x3], $0x80, $0x38;
	[tilespmem:$0x18C00] =	vst v63  }
0x151: {  	s1 =	smov.u32 s28;
	s28 =	smov.u32 s30  }
0x152: {  	s0 =	sadd.s32 $0x1100, s30;
	s28 =	sshra.s32 s28, $0x2;
	s31 =	sadd.s32 $0x14800, s1  }
0x153: {  	[hbm4b:s29+s3] =	stream.linear.scatter [tilespmem:s31], [sflag:$0x3], $0x80, $0x38;
	[tilespmem:$0x18C00] =	vst v63  }
0x154: {  	p1 =	sne.s32 s30, $0x7700;
	s30 =	sadd.s32 $0x14888, s1;
	s31 =	sadd.s32 $0x10, s29  }
0x155: {  	[hbm4b:s31+s3] =	stream.linear.scatter [tilespmem:s30], [sflag:$0x3], $0x80, $0x38;
	[tilespmem:$0x18C00] =	vst v63  }
0x156: {  	s30 =	sadd.s32 $0x14910, s1;
	s31 =	sadd.s32 $0x20, s29  }
0x157: {  	[hbm4b:s31+s3] =	stream.linear.scatter [tilespmem:s30], [sflag:$0x3], $0x80, $0x38;
	[tilespmem:$0x18C00] =	vst v63  }
0x158: {  	s30 =	sadd.s32 $0x14998, s1;
	s31 =	sadd.s32 $0x30, s29  }
0x159: {  	[hbm4b:s31+s3] =	stream.linear.scatter [tilespmem:s30], [sflag:$0x3], $0x80, $0x38;
	[tilespmem:$0x18C00] =	vst v63  }
0x15a: {  	s30 =	sadd.s32 $0x14A20, s1;
	s31 =	sadd.s32 $0x40, s29  }
0x15b: {  	[hbm4b:s31+s3] =	stream.linear.scatter [tilespmem:s30], [sflag:$0x3], $0x80, $0x38;
	[tilespmem:$0x18C00] =	vst v63  }
0x15c: {  	s30 =	sadd.s32 $0x14AA8, s1;
	s31 =	sadd.s32 $0x50, s29  }
0x15d: {  	[hbm4b:s31+s3] =	stream.linear.scatter [tilespmem:s30], [sflag:$0x3], $0x80, $0x38;
	[tilespmem:$0x18C00] =	vst v63  }
.Ltmp5:
0x15e: {  	_ = 	snop;
	(pc) =	sbr.rel @p1 .LBB2_9-.Ltmp5, $4  }
0x15f: {  	s30 =	sadd.s32 $0x14B30, s1;
	s31 =	sadd.s32 $0x60, s29  }
0x160: {  	[hbm4b:s31+s3] =	stream.linear.scatter [tilespmem:s30], [sflag:$0x3], $0x80, $0x38;
	[tilespmem:$0x18C00] =	vst v63  }
0x161: {  	s31 =	sadd.s32 $0x14BB8, s1  }
0x162: {  	s1 =	sadd.s32 $0x70, s29;
	s29 =	sadd.s32 $0x1000, s29;
	s30 =	smov.u32 s0  }
0x163: {  	[hbm4b:s1+s3] =	stream.linear.scatter [tilespmem:s31], [sflag:$0x3], $0x80, $0x38;
	[tilespmem:$0x18C00] =	vst v63  }
0x164: {  	s0 =	sadd.s32 $0x14800, s28  }
0x165: {  	[hbm4b:s29+s3] =	stream.linear.scatter [tilespmem:s0], [sflag:$0x3], $0x80, $0x38;
	[tilespmem:$0x18C00] =	vst v63  }
0x166: {  	s1 =	sadd.s32 $0x14888, s28;
	s31 =	sadd.s32 $0x10, s29  }
0x167: {  	[hbm4b:s31+s3] =	stream.linear.scatter [tilespmem:s1], [sflag:$0x3], $0x80, $0x38;
	[tilespmem:$0x18C00] =	vst v63  }
0x168: {  	s1 =	sadd.s32 $0x14910, s28;
	s31 =	sadd.s32 $0x20, s29  }
0x169: {  	[hbm4b:s31+s3] =	stream.linear.scatter [tilespmem:s1], [sflag:$0x3], $0x80, $0x38;
	[tilespmem:$0x18C00] =	vst v63  }
0x16a: {  	s1 =	sadd.s32 $0x14998, s28;
	s31 =	sadd.s32 $0x30, s29  }
0x16b: {  	[hbm4b:s31+s3] =	stream.linear.scatter [tilespmem:s1], [sflag:$0x3], $0x80, $0x38;
	[tilespmem:$0x18C00] =	vst v63  }
0x16c: {  	s1 =	sadd.s32 $0x14A20, s28;
	s31 =	sadd.s32 $0x40, s29  }
0x16d: {  	[hbm4b:s31+s3] =	stream.linear.scatter [tilespmem:s1], [sflag:$0x3], $0x80, $0x38;
	[tilespmem:$0x18C00] =	vst v63  }
0x16e: {  	p1 =	seq.s32 s25, $0x63;
	s1 =	sadd.s32 $0x14AA8, s28;
	s31 =	sadd.s32 $0x50, s29  }
0x16f: {  	[hbm4b:s31+s3] =	stream.linear.scatter [tilespmem:s1], [sflag:$0x3], $0x80, $0x38;
	[tilespmem:$0x18C00] =	vst v63  }
0x170: {  	s0 =	sshll.u32 @!p1 s25, $0x8;
	s1 =	sadd.s32 $0x14B30, s28;
	s31 =	sadd.s32 $0x60, s29  }
0x171: {  	[hbm4b:s31+s3] =	stream.linear.scatter [tilespmem:s1], [sflag:$0x3], $0x80, $0x38;
	[tilespmem:$0x18C00] =	vst v63  }
0x172: {  	s0 =	sand.u32 @!p1 $0x3FFFFF00, s0;
	s1 =	sadd.s32 $0x14BB8, s28;
	s31 =	sadd.s32 $0x70, s29  }
0x173: {  	[hbm4b:s31+s3] =	stream.linear.scatter [tilespmem:s1], [sflag:$0x3], $0x80, $0x38;
	[tilespmem:$0x18C00] =	vst v63  }
0x174: {  	s0 =	sadd.s32 @!p1 $0x3300, s0;
	s28 =	simm.s32 @!p1 $0xC800;
	s1 =	simm.s32 @!p1 $0x80  }
0x175: {  	[tilespmem:s28], [sflag:$0x1] =	stream.indirect.gather @!p1 [hbm4b:s4+s1], $0x80, s0, s1, $0xb8;
	[tilespmem:$0x18C00] =	vst v63  }
0x176: {  	s1 =	simm.s32 $0x1  }
0x177: {  	_ =	swait.ge [sflag:s19], $0x4000;
	v1 =	vmov s1;
	s1 =	simm.s32 $0x3  }
0x178: {  	[sflag:s19] =	ssyncset.done $0x0;
	v3 =	vmov s1  }
0x179: {  	s0 =	simm.s32 @!p0 $0x4;
	[sflag:s19] =	ssyncadd.s32 $0xFFFFC000;
	v3 =	vshrl.u32 v3, $0x3  }
0x17a: {  	_ =	swait.ge @!p0 [sflag:s0], $0x2000;
	v3 =	vshll.u32 v3, v5  }
0x17b: {  	v45 =	vbroadcast v3, $0x0;
	v3 =	vld [tilespmem:$0x1FFB0]  }
0x17c: {  	s31 =	simm.s32 $0x0;
	v9 =	vld [tilespmem:$0x1FE20]  }
0x17d: {  	s26 =	sor.u32 $0x1, s26;
	v0 =	vmov s31;
	s31 =	simm.s32 $0x2;
	v13 =	vld [tilespmem:$0x1FE70]  }
0x17e: {  	s28 =	sshll.u32 s26, $0x6;
	s1 =	simm.s32 $0x5;
	[sflag:s0] =	ssyncset.done @!p0 $0x0;
	v17 =	vld [tilespmem:$0x1FEB0]  }
0x17f: {  	s29 =	sand.u32 $0x3FFFFFC0, s28;
	v6 =	vmov s1;
	s1 =	simm.s32 $0x7;
	v21 =	vld [tilespmem:$0x1FEF0];
	[sflag:s0] =	ssyncadd.s32 @!p0 $0xFFFFE000  }
0x180: {  	v0 =	vshrl.u32 v0, $0x3;
	v2 =	vmov s31;
	s31 =	simm.s32 $0x4;
	s28 =	simm.s32 $0x10A00;
	v8 =	vmov s1;
	v40 =	vld [tilespmem:s29+$0x9600]  }
0x181: {  	v4 =	vmov s31;
	v0 =	vshll.u32 v0, v5;
	v8 =	vshrl.u32 v8, $0x3;
	v37 =	vld [tilespmem:s28+$0x180]  }
0x182: {  	v1 =	vshrl.u32 v1, $0x3;
	v4 =	vshrl.u32 v4, $0x3;
	v57 =	vshll.u32 v8, v5;
	v41 =	vld [tilespmem:s28+$0xFFFFFE00]  }
0x183: {  	v47 =	vbroadcast v0, $0x0;
	v1 =	vshll.u32 v1, v5;
	v8 =	vld [tilespmem:s28+$0xFFFFFE80];
	v49 =	vbroadcast v57, $0x0  }
0x184: {  	v4 =	vshll.u32 v4, v5;
	v6 =	vshrl.u32 v6, $0x3;
	v48 =	vbroadcast v1, $0x0;
	v11 =	vld [tilespmem:$0x1FF30]  }
0x185: {  	v43 =	vbroadcast v4, $0x0;
	v6 =	vshll.u32 v6, v5;
	v39 =	vld [tilespmem:s29+$0x9610];
	v3 =	vadd.s32 v3, v49  }
0x186: {  	s31 =	simm.s32 $0x6;
	v44 =	vbroadcast v6, $0x0;
	v38 =	vld [tilespmem:s29+$0x9620];
	v4 =	vadd.s32 v9, v47;
	v6 =	vmul.f32 $8.000000000e+00, v37  }
0x187: {  	v7 =	vmov s31;
	v58 =	vld [tilespmem:s28+$0xFFFFFF00];
	v50 =	vadd.s32 v13, v48;
	v41 =	vmul.f32 $8.000000000e+00, v41  }
0x188: {  	v7 =	vshrl.u32 v7, $0x3;
	v34 =	vld [tilespmem:s28+$0xFFFFFF80];
	v35 =	vmul.f32 $8.000000000e+00, v8;
	v6 =	vadd.f32 v6, v40  }
0x189: {  	v59 =	vshll.u32 v7, v5;
	v7 =	vld [tilespmem:s28+$0x0];
	v41 =	vadd.f32 v41, v40  }
0x18a: {  	v2 =	vshrl.u32 v2, $0x3;
	v37 =	vld [tilespmem:s29+$0x9630];
	v1 =	vadd.f32 v35, v40;
	[tilespmem:v3+s20+$0x0] =	vst.idx.msk $0xffff, v6  }
0x18b: {  	v2 =	vshll.u32 v2, v5;
	v51 =	vld [tilespmem:s28+$0x80];
	[tilespmem:v4+s20+$0x0] =	vst.idx.msk $0xffff, v41  }
0x18c: {  	v46 =	vbroadcast v2, $0x0;
	v4 =	vld [tilespmem:$0x1FF60];
	[tilespmem:v50+s20+$0x0] =	vst.idx.msk $0xffff, v1  }
0x18d: {  	v26 =	vld [tilespmem:$0x1FF90]  }
0x18e: {  	v52 =	vld [tilespmem:s28+$0x100];
	v8 =	vadd.s32 v17, v46  }
0x18f: {  	v53 =	vadd.s32 v21, v45;
	v0 =	vmul.f32 $8.000000000e+00, v58  }
0x190: {  	v42 =	vbroadcast v59, $0x0;
	v54 =	vadd.s32 v11, v43;
	v2 =	vmul.f32 $8.000000000e+00, v34  }
0x191: {  	v0 =	vadd.f32 v0, v40;
	v3 =	vmul.f32 $8.000000000e+00, v7;
	v6 =	vld [tilespmem:s28+$0x190];
	v4 =	vadd.s32 v4, v44  }
0x192: {  	v57 =	vmul.f32 $8.000000000e+00, v51;
	v56 =	vadd.f32 v2, v40;
	v7 =	vld [tilespmem:s28+$0xFFFFFE10];
	v41 =	vadd.s32 v26, v42  }
0x193: {  	v51 =	vld [tilespmem:s28+$0xFFFFFE90];
	[tilespmem:v8+s20+$0x0] =	vst.idx.msk $0xffff, v0;
	v59 =	vadd.f32 v3, v40;
	v3 =	vmul.f32 $8.000000000e+00, v52  }
0x194: {  	s31 =	simm.s32 $0x8;
	v34 =	vadd.f32 v57, v40;
	[tilespmem:v53+s20+$0x0] =	vst.idx.msk $0xffff, v56;
	v50 =	vld [tilespmem:s28+$0xFFFFFF10]  }
0x195: {  	v58 =	vmov s31;
	v52 =	vld [tilespmem:s28+$0xFFFFFF90];
	[tilespmem:v54+s20+$0x0] =	vst.idx.msk $0xffff, v59;
	v35 =	vadd.f32 v3, v40;
	v3 =	vadd.s32 v33, v49  }
0x196: {  	v57 =	vadd.s32 v22, v45;
	v54 =	vadd.s32 v29, v47;
	v55 =	vld [tilespmem:s28+$0x10];
	[tilespmem:v4+s20+$0x0] =	vst.idx.msk $0xffff, v34;
	v34 =	vmul.f32 $8.000000000e+00, v6  }
0x197: {  	v8 =	vshrl.u32 v58, $0x3;
	v6 =	vmul.f32 $8.000000000e+00, v7;
	v7 =	vadd.s32 v12, v48;
	v56 =	vld [tilespmem:s28+$0x90];
	[tilespmem:v41+s20+$0x0] =	vst.idx.msk $0xffff, v35  }
0x198: {  	v35 =	vmul.f32 $8.000000000e+00, v51;
	v41 =	vadd.s32 v14, v46;
	v51 =	vld [tilespmem:s28+$0x110];
	v1 =	vadd.f32 v34, v39  }
0x199: {  	v58 =	vadd.s32 v60, v43;
	v50 =	vmul.f32 $8.000000000e+00, v50;
	v6 =	vadd.f32 v6, v39  }
0x19a: {  	v52 =	vmul.f32 $8.000000000e+00, v52;
	v0 =	vadd.f32 v35, v39;
	v34 =	vmov v60;
	[tilespmem:v3+s20+$0x0] =	vst.idx.msk $0xffff, v1  }
0x19b: {  	[tilespmem:v54+s20+$0x0] =	vst.idx.msk $0xffff, v6;
	v60 =	vadd.f32 v50, v39;
	v3 =	vmul.f32 $8.000000000e+00, v55;
	v6 =	vadd.s32 v61, v44;
	v50 =	vld [tilespmem:s28+$0x1A0]  }
0x19c: {  	v25 =	vmov v33;
	v33 =	vadd.f32 v52, v39;
	v54 =	vld [tilespmem:s28+$0xFFFFFE20];
	[tilespmem:v7+s20+$0x0] =	vst.idx.msk $0xffff, v0;
	v7 =	vmul.f32 $8.000000000e+00, v56  }
0x19d: {  	v52 =	vadd.s32 v10, v42;
	v56 =	vld [tilespmem:s28+$0xFFFFFEA0];
	[tilespmem:v41+s20+$0x0] =	vst.idx.msk $0xffff, v60;
	v35 =	vadd.f32 v3, v39;
	v3 =	vmul.f32 $8.000000000e+00, v51  }
0x19e: {  	[tilespmem:v57+s20+$0x0] =	vst.idx.msk $0xffff, v33;
	v51 =	vld [tilespmem:s28+$0xFFFFFF20];
	v60 =	vadd.f32 v7, v39  }
0x19f: {  	v30 =	vmov v61;
	s31 =	simm.s32 $0xA;
	v57 =	vld [tilespmem:s28+$0xFFFFFFA0];
	[tilespmem:v58+s20+$0x0] =	vst.idx.msk $0xffff, v35;
	v61 =	vadd.f32 v3, v39;
	v3 =	vadd.s32 v18, v49  }
0x1a0: {  	v53 =	vmov s31;
	v58 =	vadd.s32 v23, v47;
	v59 =	vld [tilespmem:s28+$0x20];
	[tilespmem:v6+s20+$0x0] =	vst.idx.msk $0xffff, v60;
	v35 =	vmul.f32 $8.000000000e+00, v50  }
0x1a1: {  	v6 =	vshrl.u32 v53, $0x3;
	v60 =	vmul.f32 $8.000000000e+00, v54;
	v53 =	vadd.s32 v15, v48;
	v54 =	vld [tilespmem:s28+$0xA0]  }
0x1a2: {  	[tilespmem:v52+s20+$0x0] =	vst.idx.msk $0xffff, v61;
	v1 =	vmul.f32 $8.000000000e+00, v56;
	v52 =	vadd.s32 v19, v46;
	v0 =	vadd.f32 v35, v38  }
0x1a3: {  	v50 =	vadd.f32 v60, v38;
	v51 =	vmul.f32 $8.000000000e+00, v51;
	v60 =	vadd.s32 v32, v45  }
0x1a4: {  	v61 =	vmul.f32 $8.000000000e+00, v57;
	[tilespmem:v3+s20+$0x0] =	vst.idx.msk $0xffff, v0;
	v0 =	vadd.f32 v1, v38;
	v3 =	vadd.s32 v27, v43  }
0x1a5: {  	v35 =	vmov v32;
	[tilespmem:v58+s20+$0x0] =	vst.idx.msk $0xffff, v50;
	v50 =	vadd.f32 v51, v38;
	v32 =	vmul.f32 $8.000000000e+00, v59  }
0x1a6: {  	s1 =	simm.s32 $0x9;
	v56 =	vld [tilespmem:s28+$0x120];
	v1 =	vadd.f32 v61, v38;
	[tilespmem:v53+s20+$0x0] =	vst.idx.msk $0xffff, v0;
	v54 =	vmul.f32 $8.000000000e+00, v54  }
0x1a7: {  	v2 =	vmov s1;
	s1 =	simm.s32 $0xB;
	s31 =	simm.s32 $0xC;
	v59 =	vld [tilespmem:s28+$0x1B0];
	[tilespmem:v52+s20+$0x0] =	vst.idx.msk $0xffff, v50;
	v32 =	vadd.f32 v32, v38  }
0x1a8: {  	v4 =	vmov s1;
	s1 =	simm.s32 $0xD;
	v55 =	vmov s31;
	v0 =	vld [tilespmem:s28+$0xFFFFFE30];
	[tilespmem:v60+s20+$0x0] =	vst.idx.msk $0xffff, v1  }
0x1a9: {  	v41 =	vshll.u32 v8, v5;
	v8 =	vmov s1;
	v52 =	vshrl.u32 v4, $0x3;
	v4 =	vld [tilespmem:s28+$0xFFFFFEB0];
	[tilespmem:v3+s20+$0x0] =	vst.idx.msk $0xffff, v32  }
0x1aa: {  	s31 =	simm.s32 $0xE;
	v57 =	vadd.s32 v16, v44;
	v53 =	vshrl.u32 v8, $0x3;
	v8 =	vadd.f32 v54, v38;
	v54 =	vmovc v16;
	v16 =	vld [tilespmem:$0x1FFE0]  }
0x1ab: {  	v7 =	vmov s31  }
0x1ac: {  	v61 =	vadd.s32 v63, v42;
	v51 =	vshrl.u32 v55, $0x3;
	v55 =	vadd.s32 v36, v47  }
0x1ad: {  	v50 =	vshrl.u32 v7, $0x3;
	v56 =	vmul.f32 $8.000000000e+00, v56;
	v60 =	vmul.f32 $8.000000000e+00, v59  }
0x1ae: {  	v59 =	vshll.u32 v6, v5;
	v6 =	vadd.s32 v31, v48;
	v0 =	vmul.f32 $8.000000000e+00, v0  }
0x1af: {  	v7 =	vadd.f32 v56, v38;
	v4 =	vmul.f32 $8.000000000e+00, v4;
	v49 =	vadd.s32 v16, v49  }
0x1b0: {  	[tilespmem:v57+s20+$0x0] =	vst.idx.msk $0xffff, v8;
	v0 =	vadd.f32 v0, v37  }
0x1b1: {  	v1 =	vld [tilespmem:s28+$0xFFFFFF30];
	[tilespmem:v61+s20+$0x0] =	vst.idx.msk $0xffff, v7;
	v4 =	vadd.f32 v4, v37  }
0x1b2: {  	v3 =	vld [tilespmem:s28+$0xFFFFFFB0];
	v60 =	vadd.f32 v60, v37;
	[tilespmem:v55+s20+$0x0] =	vst.idx.msk $0xffff, v0  }
0x1b3: {  	v8 =	vld [tilespmem:s28+$0x30];
	[tilespmem:v6+s20+$0x0] =	vst.idx.msk $0xffff, v4  }
0x1b4: {  	v32 =	vld [tilespmem:s28+$0xB0];
	[tilespmem:v49+s20+$0x0] =	vst.idx.msk $0xffff, v60  }
0x1b5: {  	v0 =	vld [tilespmem:$0x1FFC0]  }
0x1b6: {  	v11 =	vmov v14;
	v2 =	vshrl.u32 v2, $0x3;
	v26 =	vmov v24  }
0x1b7: {  	v14 =	vmovc v28;
	v33 =	vmovc v18;
	v58 =	vshll.u32 v2, v5;
	v47 =	vadd.s32 v24, v45;
	v3 =	vmul.f32 $8.000000000e+00, v3  }
0x1b8: {  	v18 =	vmovc v36;
	v36 =	vmovc v20;
	v57 =	vadd.s32 v20, v46;
	v46 =	vadd.s32 v28, v43;
	v1 =	vmul.f32 $8.000000000e+00, v1  }
0x1b9: {  	v24 =	vmovc v62;
	v43 =	vadd.s32 v62, v44;
	v28 =	vmovc v63;
	v55 =	vmul.f32 $8.000000000e+00, v8;
	v56 =	vadd.f32 v3, v37  }
0x1ba: {  	s30 =	simm.s32 $0xF;
	s29 =	simm.s32 $0x10;
	v20 =	vmovc v54;
	v45 =	vld [tilespmem:s28+$0x130];
	v44 =	vmul.f32 $8.000000000e+00, v32;
	v60 =	vadd.f32 v1, v37;
	v32 =	vmovc v0;
	v42 =	vadd.s32 v0, v42  }
.LBB2_11:
0x1bb: {  	_ = 	snop  }
0x1bc: {  	v1 =	vadd.f32 v55, v37  }
0x1bd: {  	v3 =	vshll.u32 v52, v5  }
0x1be: {  	v0 =	vmov s30;
	s28 =	sadd.s32 $0x400, s28;
	[tilespmem:v46+s20+$0x0] =	vst.idx.msk $0xffff, v1;
	v46 =	vbroadcast v3, $0x0;
	v3 =	vld [tilespmem:$0x1FFB0]  }
0x1bf: {  	v4 =	vld [tilespmem:s28+$0x180];
	v0 =	vshrl.u32 v0, $0x3  }
0x1c0: {  	v7 =	vld [tilespmem:s28+$0xFFFFFE00];
	v0 =	vshll.u32 v0, v5;
	v2 =	vmul.f32 $8.000000000e+00, v45;
	v45 =	vbroadcast v41, $0x0  }
0x1c1: {  	v8 =	vshll.u32 v51, v5;
	v55 =	vld [tilespmem:s28+$0xFFFFFE80];
	v49 =	vbroadcast v0, $0x0  }
0x1c2: {  	[tilespmem:v47+s20+$0x0] =	vst.idx.msk $0xffff, v56;
	v6 =	vadd.f32 v44, v37;
	v44 =	vbroadcast v8, $0x0;
	v8 =	vadd.s32 v9, v45;
	v9 =	vld [tilespmem:$0x1FF30]  }
0x1c3: {  	v48 =	vbroadcast v58, $0x0;
	[tilespmem:v57+s20+$0x0] =	vst.idx.msk $0xffff, v60;
	v58 =	vld [tilespmem:s28+$0xFFFFFF80];
	v54 =	vadd.f32 v2, v37;
	v3 =	vadd.s32 v3, v49  }
0x1c4: {  	v57 =	vld [tilespmem:s28+$0xFFFFFF00];
	v4 =	vmul.f32 $8.000000000e+00, v4  }
0x1c5: {  	v47 =	vbroadcast v59, $0x0;
	v59 =	vld [tilespmem:s28+$0x0];
	[tilespmem:v42+s20+$0x0] =	vst.idx.msk $0xffff, v54  }
0x1c6: {  	[tilespmem:v43+s20+$0x0] =	vst.idx.msk $0xffff, v6;
	v6 =	vshll.u32 v50, v5;
	v4 =	vadd.f32 v4, v40;
	v62 =	vld [tilespmem:s28+$0x100]  }
0x1c7: {  	v63 =	vadd.s32 v21, v46;
	v7 =	vmul.f32 $8.000000000e+00, v7;
	v54 =	vadd.s32 v9, v44;
	v9 =	vld [tilespmem:$0x1FF90]  }
0x1c8: {  	v1 =	vmul.f32 $8.000000000e+00, v58;
	v42 =	vbroadcast v6, $0x0;
	v6 =	vadd.s32 v17, v47;
	[tilespmem:v3+s20+$0x0] =	vst.idx.msk $0xffff, v4;
	v4 =	vld [tilespmem:$0x1FF60]  }
0x1c9: {  	v60 =	vadd.s32 v13, v48;
	v61 =	vld [tilespmem:s28+$0x80];
	v0 =	vmul.f32 $8.000000000e+00, v57;
	v7 =	vadd.f32 v7, v40  }
0x1ca: {  	v56 =	vshll.u32 v53, v5;
	v2 =	vmul.f32 $8.000000000e+00, v55;
	v1 =	vadd.f32 v1, v40  }
0x1cb: {  	v43 =	vbroadcast v56, $0x0;
	v0 =	vadd.f32 v0, v40;
	[tilespmem:v8+s20+$0x0] =	vst.idx.msk $0xffff, v7;
	v3 =	vmul.f32 $8.000000000e+00, v59;
	v7 =	vld [tilespmem:s28+$0x190]  }
0x1cc: {  	v2 =	vadd.f32 v2, v40;
	[tilespmem:v63+s20+$0x0] =	vst.idx.msk $0xffff, v1;
	v8 =	vld [tilespmem:s28+$0xFFFFFE10];
	v41 =	vadd.s32 v9, v42  }
0x1cd: {  	v52 =	vld [tilespmem:s28+$0xFFFFFF90];
	[tilespmem:v6+s20+$0x0] =	vst.idx.msk $0xffff, v0;
	v59 =	vadd.f32 v3, v40;
	v3 =	vmul.f32 $8.000000000e+00, v62;
	v4 =	vadd.s32 v4, v43  }
0x1ce: {  	v57 =	vmul.f32 $8.000000000e+00, v61;
	[tilespmem:v60+s20+$0x0] =	vst.idx.msk $0xffff, v2;
	v50 =	vld [tilespmem:s28+$0xFFFFFF10]  }
0x1cf: {  	v51 =	vld [tilespmem:s28+$0xFFFFFE90];
	v61 =	vadd.f32 v3, v40;
	v3 =	vadd.s32 v25, v49  }
0x1d0: {  	v60 =	vadd.f32 v57, v40;
	v62 =	vadd.s32 v29, v45;
	[tilespmem:v54+s20+$0x0] =	vst.idx.msk $0xffff, v59;
	v63 =	vmul.f32 $8.000000000e+00, v7  }
0x1d1: {  	v57 =	vadd.s32 v22, v46;
	v55 =	vld [tilespmem:s28+$0x10];
	v7 =	vmul.f32 $8.000000000e+00, v8;
	[tilespmem:v41+s20+$0x0] =	vst.idx.msk $0xffff, v61  }
0x1d2: {  	v52 =	vmul.f32 $8.000000000e+00, v52;
	v61 =	vadd.s32 v11, v47;
	v1 =	vadd.f32 v63, v39;
	[tilespmem:v4+s20+$0x0] =	vst.idx.msk $0xffff, v60  }
0x1d3: {  	v8 =	vadd.s32 v12, v48;
	v50 =	vmul.f32 $8.000000000e+00, v50;
	v7 =	vadd.f32 v7, v39;
	v56 =	vld [tilespmem:s28+$0x90]  }
0x1d4: {  	v58 =	vmov s29;
	v63 =	vadd.f32 v52, v39;
	v60 =	vmul.f32 $8.000000000e+00, v51;
	v51 =	vld [tilespmem:s28+$0x110];
	[tilespmem:v3+s20+$0x0] =	vst.idx.msk $0xffff, v1  }
0x1d5: {  	s0 =	sadd.s32 $0x1, s29;
	v6 =	vshrl.u32 v58, $0x3;
	v58 =	vadd.s32 v34, v44;
	[tilespmem:v62+s20+$0x0] =	vst.idx.msk $0xffff, v7;
	v62 =	vadd.f32 v50, v39  }
0x1d6: {  	s31 =	sadd.s32 $0x2, s29;
	v2 =	vmov s0;
	v3 =	vmul.f32 $8.000000000e+00, v55;
	[tilespmem:v57+s20+$0x0] =	vst.idx.msk $0xffff, v63;
	v50 =	vld [tilespmem:s28+$0x1A0];
	v0 =	vadd.f32 v60, v39  }
0x1d7: {  	v53 =	vmov s31;
	v2 =	vshrl.u32 v2, $0x3;
	v7 =	vadd.s32 v30, v43;
	v54 =	vld [tilespmem:s28+$0xFFFFFE20];
	[tilespmem:v61+s20+$0x0] =	vst.idx.msk $0xffff, v62  }
0x1d8: {  	s1 =	sadd.s32 $0x3, s29;
	v52 =	vadd.s32 v10, v42;
	v57 =	vld [tilespmem:s28+$0xFFFFFFA0];
	v61 =	vadd.f32 v3, v39;
	[tilespmem:v8+s20+$0x0] =	vst.idx.msk $0xffff, v0;
	v8 =	vmul.f32 $8.000000000e+00, v56  }
0x1d9: {  	s31 =	sadd.s32 $0x4, s29;
	v41 =	vshll.u32 v6, v5;
	v4 =	vmov s1;
	s1 =	sadd.s32 $0x5, s29;
	v60 =	vld [tilespmem:s28+$0xFFFFFEA0];
	v3 =	vmul.f32 $8.000000000e+00, v51  }
0x1da: {  	v55 =	vmov s31;
	v6 =	vmov s1;
	v51 =	vld [tilespmem:s28+$0xFFFFFF20];
	[tilespmem:v58+s20+$0x0] =	vst.idx.msk $0xffff, v61;
	v62 =	vadd.f32 v8, v39  }
0x1db: {  	v58 =	vadd.s32 v23, v45;
	v63 =	vadd.f32 v3, v39;
	v3 =	vadd.s32 v33, v49  }
0x1dc: {  	v61 =	vadd.s32 v35, v46;
	v59 =	vld [tilespmem:s28+$0x20];
	v0 =	vmul.f32 $8.000000000e+00, v50;
	v50 =	vmul.f32 $8.000000000e+00, v54;
	[tilespmem:v7+s20+$0x0] =	vst.idx.msk $0xffff, v62  }
0x1dd: {  	v56 =	vadd.s32 v19, v47;
	[tilespmem:v52+s20+$0x0] =	vst.idx.msk $0xffff, v63;
	v7 =	vshrl.u32 v53, $0x3;
	v53 =	vadd.s32 v15, v48;
	v54 =	vld [tilespmem:s28+$0xA0]  }
0x1de: {  	v0 =	vadd.f32 v0, v38;
	v50 =	vadd.f32 v50, v38;
	v1 =	vmul.f32 $8.000000000e+00, v60;
	v60 =	vld [tilespmem:s28+$0x120]  }
0x1df: {  	s31 =	sadd.s32 $0x6, s29;
	v52 =	vmul.f32 $8.000000000e+00, v57;
	v57 =	vadd.s32 v27, v44;
	v51 =	vmul.f32 $8.000000000e+00, v51  }
0x1e0: {  	v8 =	vmov s31;
	v48 =	vadd.s32 v31, v48;
	v1 =	vadd.f32 v1, v38;
	[tilespmem:v3+s20+$0x0] =	vst.idx.msk $0xffff, v0  }
0x1e1: {  	[tilespmem:v58+s20+$0x0] =	vst.idx.msk $0xffff, v50;
	v0 =	vadd.f32 v51, v38;
	v3 =	vmul.f32 $8.000000000e+00, v59;
	v59 =	vadd.s32 v20, v43;
	v62 =	vld [tilespmem:s28+$0x1B0]  }
0x1e2: {  	v63 =	vld [tilespmem:s28+$0xFFFFFE30];
	v51 =	vshrl.u32 v55, $0x3;
	[tilespmem:v53+s20+$0x0] =	vst.idx.msk $0xffff, v1;
	v1 =	vadd.f32 v52, v38;
	v50 =	vmul.f32 $8.000000000e+00, v54  }
0x1e3: {  	[tilespmem:v56+s20+$0x0] =	vst.idx.msk $0xffff, v0;
	v58 =	vadd.f32 v3, v38;
	v52 =	vshrl.u32 v4, $0x3;
	v3 =	vmul.f32 $8.000000000e+00, v60;
	v4 =	vld [tilespmem:s28+$0xFFFFFEB0]  }
0x1e4: {  	v53 =	vshrl.u32 v6, $0x3;
	v6 =	vld [tilespmem:s28+$0xFFFFFF30];
	v54 =	vadd.s32 v28, v42;
	[tilespmem:v61+s20+$0x0] =	vst.idx.msk $0xffff, v1;
	v61 =	vadd.f32 v50, v38  }
0x1e5: {  	[tilespmem:v57+s20+$0x0] =	vst.idx.msk $0xffff, v58;
	v0 =	vadd.f32 v3, v38;
	v3 =	vadd.s32 v16, v49;
	v50 =	vshrl.u32 v8, $0x3;
	v8 =	vld [tilespmem:s28+$0xFFFFFFB0]  }
0x1e6: {  	v58 =	vshll.u32 v2, v5;
	v2 =	vadd.s32 v18, v45;
	v49 =	vld [tilespmem:s28+$0x30];
	v55 =	vmul.f32 $8.000000000e+00, v62;
	[tilespmem:v59+s20+$0x0] =	vst.idx.msk $0xffff, v61  }
0x1e7: {  	p0 =	slt.u32 s29, $0x78;
	v43 =	vadd.s32 v24, v43;
	v59 =	vshll.u32 v7, v5;
	v7 =	vmul.f32 $8.000000000e+00, v63;
	v61 =	vld [tilespmem:s28+$0xB0]  }
.Ltmp6:
0x1e8: {  	v13 =	vld [tilespmem:$0x1FE70];
	v57 =	vadd.s32 v36, v47;
	v1 =	vadd.f32 v55, v37;
	v63 =	vmul.f32 $8.000000000e+00, v4;
	(pc) =	sbr.rel @p0 .LBB2_11-.Ltmp6, $4  }
0x1e9: {  	v21 =	vld [tilespmem:$0x1FEF0];
	v47 =	vadd.s32 v26, v46;
	v6 =	vmul.f32 $8.000000000e+00, v6;
	[tilespmem:v54+s20+$0x0] =	vst.idx.msk $0xffff, v0;
	v4 =	vadd.f32 v7, v37  }
0x1ea: {  	v17 =	vld [tilespmem:$0x1FEB0];
	v46 =	vadd.s32 v14, v44;
	[tilespmem:v3+s20+$0x0] =	vst.idx.msk $0xffff, v1;
	v0 =	vadd.f32 v63, v37;
	v7 =	vmul.f32 $8.000000000e+00, v8  }
0x1eb: {  	v9 =	vld [tilespmem:$0x1FE20];
	v42 =	vadd.s32 v32, v42;
	v60 =	vadd.f32 v6, v37;
	[tilespmem:v2+s20+$0x0] =	vst.idx.msk $0xffff, v4  }
0x1ec: {  	s30 =	sadd.s32 $0x7, s29;
	s29 =	sadd.s32 $0x8, s29;
	v45 =	vld [tilespmem:s28+$0x130];
	v55 =	vmul.f32 $8.000000000e+00, v49;
	[tilespmem:v48+s20+$0x0] =	vst.idx.msk $0xffff, v0;
	v56 =	vadd.f32 v7, v37;
	v44 =	vmul.f32 $8.000000000e+00, v61  }
0x1ed: {  	v0 =	vmov s30;
	s28 =	sadd.s32 $0x400, s28;
	v63 =	vld [tilespmem:$0x1FFB0]  }
0x1ee: {  	v1 =	vld [tilespmem:s28+$0x180];
	v0 =	vshrl.u32 v0, $0x3  }
0x1ef: {  	v3 =	vld [tilespmem:s28+$0xFFFFFE00];
	v0 =	vshll.u32 v0, v5  }
0x1f0: {  	v2 =	vshll.u32 v52, v5;
	v52 =	vbroadcast v41, $0x0;
	v4 =	vld [tilespmem:s28+$0xFFFFFE80];
	v54 =	vbroadcast v0, $0x0  }
0x1f1: {  	v6 =	vshll.u32 v51, v5;
	v7 =	vshll.u32 v53, v5;
	v53 =	vbroadcast v58, $0x0  }
0x1f2: {  	v8 =	vshll.u32 v50, v5;
	v50 =	vbroadcast v2, $0x0;
	v2 =	vadd.s32 v63, v54  }
0x1f3: {  	v48 =	vbroadcast v6, $0x0;
	v6 =	vadd.s32 v9, v52;
	v1 =	vmul.f32 $8.000000000e+00, v1  }
0x1f4: {  	v58 =	vld [tilespmem:s28+$0xFFFFFF80];
	v41 =	vbroadcast v7, $0x0;
	v7 =	vadd.s32 v13, v53;
	v3 =	vmul.f32 $8.000000000e+00, v3  }
0x1f5: {  	v51 =	vbroadcast v59, $0x0;
	v59 =	vld [tilespmem:s28+$0x0];
	v4 =	vmul.f32 $8.000000000e+00, v4;
	v1 =	vadd.f32 v1, v40  }
0x1f6: {  	v61 =	vld [tilespmem:s28+$0x80];
	v3 =	vadd.f32 v3, v40  }
0x1f7: {  	v0 =	vld [tilespmem:s28+$0xFFFFFF00];
	v13 =	vadd.f32 v4, v40;
	[tilespmem:v2+s20+$0x0] =	vst.idx.msk $0xffff, v1  }
0x1f8: {  	v4 =	vld [tilespmem:$0x1FF30];
	[tilespmem:v6+s20+$0x0] =	vst.idx.msk $0xffff, v3  }
0x1f9: {  	v6 =	vld [tilespmem:$0x1FF60];
	[tilespmem:v7+s20+$0x0] =	vst.idx.msk $0xffff, v13  }
0x1fa: {  	v9 =	vld [tilespmem:$0x1FF90]  }
0x1fb: {  	v49 =	vbroadcast v8, $0x0;
	v62 =	vld [tilespmem:s28+$0x100];
	v8 =	vadd.s32 v17, v51  }
0x1fc: {  	v63 =	vadd.s32 v21, v50;
	v0 =	vmul.f32 $8.000000000e+00, v0  }
0x1fd: {  	v17 =	vmul.f32 $8.000000000e+00, v58;
	v4 =	vadd.s32 v4, v48  }
0x1fe: {  	v0 =	vadd.f32 v0, v40;
	v3 =	vmul.f32 $8.000000000e+00, v59;
	v58 =	vld [tilespmem:s28+$0x190];
	v6 =	vadd.s32 v6, v41  }
0x1ff: {  	v2 =	vadd.f32 v17, v40;
	v21 =	vld [tilespmem:s28+$0xFFFFFE10];
	v7 =	vmul.f32 $8.000000000e+00, v61;
	v59 =	vadd.s32 v9, v49  }
0x200: {  	[tilespmem:v8+s20+$0x0] =	vst.idx.msk $0xffff, v0;
	v0 =	vld [tilespmem:s28+$0xFFFFFE90];
	v3 =	vadd.f32 v3, v40;
	v8 =	vmul.f32 $8.000000000e+00, v62  }
0x201: {  	[tilespmem:v63+s20+$0x0] =	vst.idx.msk $0xffff, v2;
	v2 =	vld [tilespmem:s28+$0xFFFFFF10];
	v7 =	vadd.f32 v7, v40  }
0x202: {  	v13 =	vld [tilespmem:s28+$0xFFFFFF90];
	[tilespmem:v4+s20+$0x0] =	vst.idx.msk $0xffff, v3;
	v3 =	vadd.f32 v8, v40;
	v4 =	vadd.s32 v25, v54  }
0x203: {  	v8 =	vadd.s32 v29, v52;
	v17 =	vld [tilespmem:s28+$0x10];
	[tilespmem:v6+s20+$0x0] =	vst.idx.msk $0xffff, v7;
	v6 =	vmul.f32 $8.000000000e+00, v58  }
0x204: {  	v1 =	vmul.f32 $8.000000000e+00, v21;
	v7 =	vadd.s32 v12, v53;
	v21 =	vld [tilespmem:s28+$0x90];
	[tilespmem:v59+s20+$0x0] =	vst.idx.msk $0xffff, v3  }
0x205: {  	v0 =	vmul.f32 $8.000000000e+00, v0;
	v3 =	vadd.s32 v11, v51;
	v59 =	vld [tilespmem:s28+$0x110];
	v6 =	vadd.f32 v6, v39  }
0x206: {  	[tilespmem:v57+s20+$0x0] =	vst.idx.msk $0xffff, v60;
	v60 =	vadd.s32 v22, v50;
	v1 =	vadd.f32 v1, v39;
	v2 =	vmul.f32 $8.000000000e+00, v2  }
0x207: {  	v0 =	vadd.f32 v0, v39;
	[tilespmem:v4+s20+$0x0] =	vst.idx.msk $0xffff, v6;
	v4 =	vmul.f32 $8.000000000e+00, v13;
	v6 =	vadd.s32 v34, v48  }
0x208: {  	v61 =	vadd.f32 v2, v39;
	[tilespmem:v8+s20+$0x0] =	vst.idx.msk $0xffff, v1;
	v8 =	vadd.s32 v30, v41;
	v62 =	vmul.f32 $8.000000000e+00, v17;
	v63 =	vld [tilespmem:s28+$0x1A0]  }
0x209: {  	[tilespmem:v7+s20+$0x0] =	vst.idx.msk $0xffff, v0;
	v12 =	vld [tilespmem:s28+$0xFFFFFE20];
	v17 =	vadd.s32 v10, v49;
	v4 =	vadd.f32 v4, v39;
	v7 =	vmul.f32 $8.000000000e+00, v21  }
0x20a: {  	[tilespmem:v3+s20+$0x0] =	vst.idx.msk $0xffff, v61;
	v21 =	vld [tilespmem:s28+$0xFFFFFEA0];
	v2 =	vadd.f32 v62, v39;
	v3 =	vmul.f32 $8.000000000e+00, v59  }
0x20b: {  	[tilespmem:v60+s20+$0x0] =	vst.idx.msk $0xffff, v4;
	v4 =	vld [tilespmem:s28+$0xFFFFFF20];
	v7 =	vadd.f32 v7, v39  }
0x20c: {  	[tilespmem:v6+s20+$0x0] =	vst.idx.msk $0xffff, v2;
	v22 =	vld [tilespmem:s28+$0xFFFFFFA0];
	v3 =	vadd.f32 v3, v39;
	v6 =	vadd.s32 v33, v54  }
0x20d: {  	[tilespmem:v8+s20+$0x0] =	vst.idx.msk $0xffff, v7;
	v7 =	vadd.s32 v23, v52;
	v8 =	vld [tilespmem:s28+$0x20];
	v33 =	vmul.f32 $8.000000000e+00, v63  }
0x20e: {  	v60 =	vadd.f32 v55, v37;
	v0 =	vmul.f32 $8.000000000e+00, v12;
	[tilespmem:v17+s20+$0x0] =	vst.idx.msk $0xffff, v3;
	v3 =	vadd.s32 v15, v53;
	v61 =	vld [tilespmem:s28+$0xA0]  }
0x20f: {  	[tilespmem:v47+s20+$0x0] =	vst.idx.msk $0xffff, v56;
	v62 =	vadd.s32 v19, v51;
	v1 =	vmul.f32 $8.000000000e+00, v21;
	v63 =	vld [tilespmem:s28+$0x120];
	v39 =	vadd.f32 v33, v38  }
0x210: {  	[tilespmem:v46+s20+$0x0] =	vst.idx.msk $0xffff, v60;
	v12 =	vadd.s32 v35, v50;
	v0 =	vadd.f32 v0, v38;
	v4 =	vmul.f32 $8.000000000e+00, v4  }
0x211: {  	v1 =	vadd.f32 v1, v38;
	[tilespmem:v6+s20+$0x0] =	vst.idx.msk $0xffff, v39;
	v2 =	vmul.f32 $8.000000000e+00, v22;
	v6 =	vadd.s32 v27, v48  }
0x212: {  	[tilespmem:v7+s20+$0x0] =	vst.idx.msk $0xffff, v0;
	v15 =	vadd.f32 v4, v38;
	v4 =	vmul.f32 $8.000000000e+00, v8;
	v7 =	vadd.s32 v20, v41;
	v8 =	vld [tilespmem:s28+$0x1B0]  }
0x213: {  	v19 =	vadd.s32 v28, v49;
	[tilespmem:v3+s20+$0x0] =	vst.idx.msk $0xffff, v1;
	v17 =	vld [tilespmem:s28+$0xFFFFFE30];
	v2 =	vadd.f32 v2, v38;
	v3 =	vmul.f32 $8.000000000e+00, v61  }
0x214: {  	[tilespmem:v62+s20+$0x0] =	vst.idx.msk $0xffff, v15;
	v20 =	vld [tilespmem:s28+$0xFFFFFEB0];
	v4 =	vadd.f32 v4, v38;
	v21 =	vmul.f32 $8.000000000e+00, v63  }
0x215: {  	v47 =	vld [tilespmem:s28+$0xFFFFFF30];
	[tilespmem:v12+s20+$0x0] =	vst.idx.msk $0xffff, v2;
	v22 =	vadd.f32 v3, v38  }
0x216: {  	v3 =	vmul.f32 $8.000000000e+00, v45;
	v40 =	vld [tilespmem:s28+$0xFFFFFFB0];
	[tilespmem:v6+s20+$0x0] =	vst.idx.msk $0xffff, v4;
	v4 =	vadd.f32 v21, v38;
	v6 =	vadd.s32 v16, v54  }
0x217: {  	v23 =	vadd.f32 v44, v37;
	v33 =	vadd.s32 v18, v52;
	v35 =	vld [tilespmem:s28+$0x30];
	[tilespmem:v7+s20+$0x0] =	vst.idx.msk $0xffff, v22;
	v52 =	vmul.f32 $8.000000000e+00, v8  }
0x218: {  	v3 =	vadd.f32 v3, v37;
	v7 =	vadd.s32 v31, v53;
	v1 =	vmul.f32 $8.000000000e+00, v17;
	v8 =	vld [tilespmem:s28+$0xB0];
	[tilespmem:v19+s20+$0x0] =	vst.idx.msk $0xffff, v4  }
0x219: {  	[tilespmem:v43+s20+$0x0] =	vst.idx.msk $0xffff, v23;
	v4 =	vadd.s32 v36, v51;
	v0 =	vmul.f32 $8.000000000e+00, v20;
	v54 =	vld [tilespmem:s28+$0x130];
	v2 =	vadd.f32 v52, v37  }
0x21a: {  	v55 =	vadd.s32 v26, v50;
	[tilespmem:v42+s20+$0x0] =	vst.idx.msk $0xffff, v3;
	v1 =	vadd.f32 v1, v37;
	v3 =	vmul.f32 $8.000000000e+00, v47  }
0x21b: {  	v56 =	vadd.s32 v14, v48;
	v0 =	vadd.f32 v0, v37;
	v40 =	vmul.f32 $8.000000000e+00, v40;
	[tilespmem:v6+s20+$0x0] =	vst.idx.msk $0xffff, v2  }
0x21c: {  	[tilespmem:v33+s20+$0x0] =	vst.idx.msk $0xffff, v1;
	v57 =	vadd.f32 v3, v37;
	v58 =	vmul.f32 $8.000000000e+00, v35;
	v3 =	vadd.s32 v24, v41  }
0x21d: {  	[tilespmem:v7+s20+$0x0] =	vst.idx.msk $0xffff, v0;
	v59 =	vadd.f32 v40, v37;
	v6 =	vmul.f32 $8.000000000e+00, v8;
	v7 =	vadd.s32 v32, v49  }
0x21e: {  	[tilespmem:v4+s20+$0x0] =	vst.idx.msk $0xffff, v57;
	v60 =	vadd.f32 v58, v37;
	v61 =	vmul.f32 $8.000000000e+00, v54  }
0x21f: {  	s0 =	sshll.u32 s26, $0x12;
	[tilespmem:v55+s20+$0x0] =	vst.idx.msk $0xffff, v59;
	v62 =	vadd.f32 v6, v37  }
0x220: {  	s0 =	sor.u32 s8, s0;
	[tilespmem:v56+s20+$0x0] =	vst.idx.msk $0xffff, v60;
	v63 =	vadd.f32 v61, v37  }
0x221: {  	s0 =	sshrl.u32 s0, $0x3;
	[tilespmem:v3+s20+$0x0] =	vst.idx.msk $0xffff, v62  }
0x222: {  	s1 =	simm.s32 $0x16A00;
	s0 =	sadd.s32 s2, s0;
	[tilespmem:v7+s20+$0x0] =	vst.idx.msk $0xffff, v63  }
0x223: {  	[hbm4b:s0+s3] =	stream.linear.scatter [tilespmem:s1], [sflag:$0x4], $0x80, $0x38;
	[tilespmem:$0x18C00] =	vst v63  }
0x224: {  	s26 =	simm.s32 $0x16A88;
	s31 =	sadd.s32 $0x10, s0  }
0x225: {  	[hbm4b:s31+s3] =	stream.linear.scatter [tilespmem:s26], [sflag:$0x4], $0x80, $0x38;
	[tilespmem:$0x18C00] =	vst v63  }
0x226: {  	s26 =	simm.s32 $0x16B10;
	s31 =	sadd.s32 $0x20, s0  }
0x227: {  	[hbm4b:s31+s3] =	stream.linear.scatter [tilespmem:s26], [sflag:$0x4], $0x80, $0x38;
	[tilespmem:$0x18C00] =	vst v63  }
0x228: {  	s26 =	simm.s32 $0x16B98;
	s31 =	sadd.s32 $0x30, s0  }
0x229: {  	[hbm4b:s31+s3] =	stream.linear.scatter [tilespmem:s26], [sflag:$0x4], $0x80, $0x38;
	[tilespmem:$0x18C00] =	vst v63  }
0x22a: {  	s26 =	simm.s32 $0x16C20;
	s31 =	sadd.s32 $0x40, s0  }
0x22b: {  	[hbm4b:s31+s3] =	stream.linear.scatter [tilespmem:s26], [sflag:$0x4], $0x80, $0x38;
	[tilespmem:$0x18C00] =	vst v63  }
0x22c: {  	s29 =	simm.s32 $0x2200;
	s26 =	simm.s32 $0x16CA8;
	s31 =	sadd.s32 $0x50, s0  }
0x22d: {  	[hbm4b:s31+s3] =	stream.linear.scatter [tilespmem:s26], [sflag:$0x4], $0x80, $0x38;
	[tilespmem:$0x18C00] =	vst v63  }
0x22e: {  	s30 =	simm.s32 $0x16DB8;
	s26 =	simm.s32 $0x16D30;
	s31 =	sadd.s32 $0x60, s0  }
0x22f: {  	v13 =	vmov v34;
	[hbm4b:s31+s3] =	stream.linear.scatter [tilespmem:s26], [sflag:$0x4], $0x80, $0x38;
	[tilespmem:$0x18C00] =	vst v63  }
0x230: {  	v34 =	vmovc v10;
	v10 =	vmovc v29;
	v26 =	vmov v13;
	s28 =	sadd.s32 $0x1000, s0;
	v8 =	vmov v9;
	v6 =	vmov v32;
	s1 =	sadd.s32 $0x70, s0;
	v29 =	vld [tilespmem:$0x1FF60];
	s26 =	simm.s32 $0x440  }
.LBB2_13:
0x231: {  	[hbm4b:s1+s3] =	stream.linear.scatter [tilespmem:s30], [sflag:$0x4], $0x80, $0x38;
	[tilespmem:$0x18C00] =	vst v63  }
0x232: {  	s0 =	smov.u32 s26;
	s1 =	smov.u32 s29  }
0x233: {  	s31 =	sadd.s32 $0x1100, s29;
	s26 =	sshra.s32 s1, $0x2;
	s1 =	sadd.s32 $0x16A00, s0  }
0x234: {  	[hbm4b:s28+s3] =	stream.linear.scatter [tilespmem:s1], [sflag:$0x4], $0x80, $0x38;
	[tilespmem:$0x18C00] =	vst v63  }
0x235: {  	p0 =	sne.s32 s29, $0x7700;
	s29 =	sadd.s32 $0x10, s28;
	s1 =	sadd.s32 $0x16A88, s0  }
0x236: {  	[hbm4b:s29+s3] =	stream.linear.scatter [tilespmem:s1], [sflag:$0x4], $0x80, $0x38;
	[tilespmem:$0x18C00] =	vst v63  }
0x237: {  	s1 =	sadd.s32 $0x16B10, s0;
	s29 =	sadd.s32 $0x20, s28  }
0x238: {  	[hbm4b:s29+s3] =	stream.linear.scatter [tilespmem:s1], [sflag:$0x4], $0x80, $0x38;
	[tilespmem:$0x18C00] =	vst v63  }
0x239: {  	s1 =	sadd.s32 $0x16B98, s0;
	s29 =	sadd.s32 $0x30, s28  }
0x23a: {  	[hbm4b:s29+s3] =	stream.linear.scatter [tilespmem:s1], [sflag:$0x4], $0x80, $0x38;
	[tilespmem:$0x18C00] =	vst v63  }
0x23b: {  	s1 =	sadd.s32 $0x16C20, s0;
	s29 =	sadd.s32 $0x40, s28  }
0x23c: {  	[hbm4b:s29+s3] =	stream.linear.scatter [tilespmem:s1], [sflag:$0x4], $0x80, $0x38;
	[tilespmem:$0x18C00] =	vst v63  }
.Ltmp7:
0x23d: {  	s1 =	sadd.s32 $0x16CA8, s0;
	s29 =	sadd.s32 $0x50, s28;
	(pc) =	sbr.rel @p0 .LBB2_13-.Ltmp7, $4  }
0x23e: {  	[hbm4b:s29+s3] =	stream.linear.scatter [tilespmem:s1], [sflag:$0x4], $0x80, $0x38;
	[tilespmem:$0x18C00] =	vst v63  }
0x23f: {  	s30 =	sadd.s32 $0x16DB8, s0;
	s1 =	sadd.s32 $0x16D30, s0;
	s29 =	sadd.s32 $0x60, s28  }
0x240: {  	[hbm4b:s29+s3] =	stream.linear.scatter [tilespmem:s1], [sflag:$0x4], $0x80, $0x38;
	[tilespmem:$0x18C00] =	vst v63  }
0x241: {  	s1 =	sadd.s32 $0x70, s28;
	s28 =	sadd.s32 $0x1000, s28;
	s29 =	smov.u32 s31  }
0x242: {  	[hbm4b:s1+s3] =	stream.linear.scatter [tilespmem:s30], [sflag:$0x4], $0x80, $0x38;
	[tilespmem:$0x18C00] =	vst v63  }
0x243: {  	s0 =	sadd.s32 $0x16A00, s26  }
0x244: {  	[hbm4b:s28+s3] =	stream.linear.scatter [tilespmem:s0], [sflag:$0x4], $0x80, $0x38;
	[tilespmem:$0x18C00] =	vst v63  }
0x245: {  	s30 =	sadd.s32 $0x16A88, s26;
	s31 =	sadd.s32 $0x10, s28  }
0x246: {  	[hbm4b:s31+s3] =	stream.linear.scatter [tilespmem:s30], [sflag:$0x4], $0x80, $0x38;
	[tilespmem:$0x18C00] =	vst v63  }
0x247: {  	s1 =	sadd.s32 $0x16B10, s26;
	s29 =	sadd.s32 $0x20, s28  }
0x248: {  	[hbm4b:s29+s3] =	stream.linear.scatter [tilespmem:s1], [sflag:$0x4], $0x80, $0x38;
	[tilespmem:$0x18C00] =	vst v63  }
0x249: {  	s30 =	sadd.s32 $0x16B98, s26;
	s31 =	sadd.s32 $0x30, s28  }
0x24a: {  	[hbm4b:s31+s3] =	stream.linear.scatter [tilespmem:s30], [sflag:$0x4], $0x80, $0x38;
	[tilespmem:$0x18C00] =	vst v63  }
0x24b: {  	s1 =	sadd.s32 $0x16C20, s26;
	s29 =	sadd.s32 $0x40, s28  }
0x24c: {  	[hbm4b:s29+s3] =	stream.linear.scatter [tilespmem:s1], [sflag:$0x4], $0x80, $0x38;
	[tilespmem:$0x18C00] =	vst v63  }
0x24d: {  	s30 =	sadd.s32 $0x16CA8, s26;
	s31 =	sadd.s32 $0x50, s28  }
0x24e: {  	[hbm4b:s31+s3] =	stream.linear.scatter [tilespmem:s30], [sflag:$0x4], $0x80, $0x38;
	[tilespmem:$0x18C00] =	vst v63  }
.Ltmp8:
0x24f: {  	_ = 	snop;
	(pc) =	sbr.rel @p1 .LBB2_16-.Ltmp8, $4  }
0x250: {  	v0 =	vld [tilespmem:$0x1FE00];
	s1 =	sadd.s32 $0x16D30, s26;
	s29 =	sadd.s32 $0x60, s28  }
0x251: {  	v1 =	vld [tilespmem:$0x1FE10];
	[hbm4b:s29+s3] =	stream.linear.scatter [tilespmem:s1], [sflag:$0x4], $0x80, $0x38  }
0x252: {  	v2 =	vld [tilespmem:$0x1FE30];
	s30 =	sadd.s32 $0x16DB8, s26;
	s31 =	sadd.s32 $0x70, s28  }
0x253: {  	v3 =	vld [tilespmem:$0x1FE40];
	[hbm4b:s31+s3] =	stream.linear.scatter [tilespmem:s30], [sflag:$0x4], $0x80, $0x38  }
0x254: {  	v9 =	vld [tilespmem:$0x1FE20]  }
0x255: {  	v13 =	vld [tilespmem:$0x1FE70]  }
.Ltmp9:
0x256: {  	v17 =	vld [tilespmem:$0x1FEB0];
	(pc) =	sbr.rel .LBB2_6-.Ltmp9, $4  }
0x257: {  	s0 =	sshll.u32 s25, $0x8;
	v21 =	vld [tilespmem:$0x1FEF0]  }
0x258: {  	v4 =	vld [tilespmem:$0x1FF30];
	s0 =	sand.u32 $0x3FFFFF00, s0  }
0x259: {  	s25 =	sadd.s32 $0x1, s25;
	v7 =	vld [tilespmem:$0x1FFB0];
	s0 =	sadd.s32 $0x3380, s0  }
0x25a: {  	v36 =	vld [tilespmem:$0x1FFE0];
	[tilespmem:s16], [sflag:$0x2] =	stream.indirect.gather [hbm4b:s4+s12], $0x80, s0, s12, $0xb8  }
.LBB2_17:
0x25b: {  	_ =	sfence.sel $0x180000  }
0x25c: {  	[bflag:$0x0] =	sbarrier.arrive $0xFFFF  }
0x25d: {  	_ =	strace $0x90000047  }
0x25e: {  	s0 =	stileid.u32;
	[bflag:$0x2] =	sbarrier.arrive $0xFFFF  }
0x25f: {  	p0 =	sne.s32 s0, $0x0;
	s0 =	rddreg [dreg:$0x2]  }
0x260: {  	s0 =	sadd.s32 @!p0 $0x100000, s0  }
0x261: {  	[sflag:s0] =	ssyncadd.tile.s32 @!p0 $0x1;
	_ =	shalt  }
.Lfunc_end2:
_tile_overlayer_lowered:
.L_overlay_start_2:
0x262: {  	(tag) =	ssettag $0x2  }
0x263: {  	s0 =	rddreg [dreg:$0x0];
	s2 =	stileid.u32  }
0x264: {  	s1 =	rddreg [dreg:$0x1];
	p0 =	sne.s32 s2, $0x0  }
0x265: {  	s3 =	rddreg [dreg:$0x2];
	[bflag:$0x3] =	sbarrier.arrive $0xFFFF;
	s2 =	simm.s32 @!p0 $0x1C05  }
0x266: {  	[timem:s3], [sflag:s2] =	dma.local @!p0 [hbm:s0], s1  }
0x267: {  	s0 =	simm.s32 @!p0 $0x5  }
0x268: {  	_ =	swait.ge @!p0 [sflag:s0], s1  }
0x269: {  	s1 =	ssub.s32 @!p0 $0x0, s1;
	[sflag:s0] =	ssyncset.done @!p0 $0x0  }
0x26a: {  	[sflag:s0] =	ssyncadd.s32 @!p0 s1  }
0x26b: {  	[bflag:$0x3] =	sbarrier.arrive $0xFFFF  }
0x26c: {  	_ =	shalt  }

</sc_bundles>
